<compile_context>
chip_gen: v7x
topology: tpu7x:2x2x1
jax: 0.10.2.dev20260603
libtpu: 0.0.44.dev20260713+nightly
codegen_flags: <defaults>
</compile_context>

<pallas_src>
import functools

import jax
import jax.numpy as jnp
from jax import lax
from jax.experimental import pallas as pl
from jax.experimental.pallas import tpu as pltpu
from jax.experimental.pallas import tpu_sc as plsc

M_TOTAL = 1000000
N_TOTAL = 4194304

NC = 2
NS = 16
NW = NC * NS

E_PER_TILE = N_TOTAL // NW
ROW = 128
K_ROWS = E_PER_TILE // ROW
RC = 16
NCHUNK = K_ROWS // RC

M_PAD = 1000448
TCHUNK = M_PAD // NS
PAD2D = M_PAD // 128


def _sc_body(data_hbm, zeros_hbm, idx_hbm, upd_hbm, p0_hbm, p1_hbm,
             idx_v, upd_v, stage_v, acc_sh):
    c = lax.axis_index("c")
    s = lax.axis_index("s")
    w = c * NS + s
    tb = s * TCHUNK

    @pl.when(c == 0)
    def _():
        pltpu.sync_copy(data_hbm.at[pl.ds(tb, TCHUNK)], stage_v)

    @pl.when(c != 0)
    def _():
        pltpu.sync_copy(zeros_hbm.at[pl.ds(tb, TCHUNK)], stage_v)

    pltpu.sync_copy(stage_v, acc_sh.at[pl.ds(tb, TCHUNK)])

    plsc.subcore_barrier()

    def chunk(ch, carry):
        r0 = ch * RC
        pltpu.sync_copy(idx_hbm.at[w, pl.ds(r0, RC)], idx_v)
        pltpu.sync_copy(upd_hbm.at[w, pl.ds(r0, RC)], upd_v)
        for r in range(RC):
            pltpu.sync_copy(upd_v.at[r], acc_sh.at[idx_v.at[r]], add=True)
        return carry

    lax.fori_loop(0, NCHUNK, chunk, 0)

    plsc.subcore_barrier()

    pltpu.sync_copy(acc_sh.at[pl.ds(tb, TCHUNK)], stage_v)

    @pl.when(c == 0)
    def _():
        pltpu.sync_copy(stage_v, p0_hbm.at[pl.ds(tb, TCHUNK)])

    @pl.when(c != 0)
    def _():
        pltpu.sync_copy(stage_v, p1_hbm.at[pl.ds(tb, TCHUNK)])


_sc_scatter = functools.partial(
    pl.kernel,
    out_type=(jax.ShapeDtypeStruct((M_PAD,), jnp.float32),
              jax.ShapeDtypeStruct((M_PAD,), jnp.float32)),
    mesh=plsc.VectorSubcoreMesh(core_axis_name="c", subcore_axis_name="s"),
    scratch_types=(
        pltpu.VMEM((RC, ROW), jnp.int32),
        pltpu.VMEM((RC, ROW), jnp.float32),
        pltpu.VMEM((TCHUNK,), jnp.float32),
        pltpu.VMEM_SHARED((M_PAD,), jnp.float32),
    ),
)(_sc_body)


def _combine_body(a_ref, b_ref, o_ref):
    o_ref[...] = a_ref[...] + b_ref[...]


def _combine(a, b):
    return pl.pallas_call(
        _combine_body,
        out_shape=jax.ShapeDtypeStruct((PAD2D, 128), jnp.float32),
    )(a, b)


@jax.jit
def kernel(data, indices, updates):
    data_pad = jnp.pad(data, (0, M_PAD - M_TOTAL))
    zeros = jnp.zeros((M_PAD,), jnp.float32)
    idx3 = indices.astype(jnp.int32).reshape(NW, K_ROWS, ROW)
    upd3 = updates.reshape(NW, K_ROWS, ROW)
    p0, p1 = _sc_scatter(data_pad, zeros, idx3, upd3)
    out2d = _combine(p0.reshape(PAD2D, 128), p1.reshape(PAD2D, 128))
    return out2d.reshape(-1)[:M_TOTAL]

# --- scband reference (transcript-rebuilt; emitter-appended) ---
"""Pipeline reference for scband-model-11879879543613 (READ-ONLY COPY).

The authoritative reference and input builder live on the scoring server;
editing this copy changes nothing except your own understanding.
"""

import jax, jax.numpy as jnp
import numpy as np

M = 1000000
N = 4194304

def setup_inputs(seed: int = 0) -> dict:
    key = jax.random.key(seed)
    k1, k2 = jax.random.split(key)
    data = jnp.zeros((M,), dtype=jnp.float32)
    indices = jax.random.randint(k1, (N,), 0, M, dtype=jnp.int64 if jax.config.jax_enable_x64 else jnp.int32).astype(jnp.int32)
    updates = jax.random.normal(k2, (N,), dtype=jnp.float32)
    return {"data": data, "indices": indices, "updates": updates}

def reference(data, indices, updates):
    # torch.scatter_add(data, 0, indices, updates) for 1-D tensors:
    # out[indices[i]] += updates[i], starting from data
    return data.at[indices].add(updates)

if __name__ == "__main__":
    import jax
    _d = setup_inputs()
    print(jax.jit(kernel)(*tuple(_d.values())))

</pallas_src>

<mosaic_0001>
#map = affine_map<(d0, d1) -> (0)>
#map1 = affine_map<(d0, d1) -> (0, 0, 0)>
module attributes {stable_mosaic.version = 14 : i64} {
  func.func @_sc_body(%arg0: i32, %arg1: i32, %arg2: memref<1000448xf32, #tpu.memory_space<hbm>>, %arg3: memref<1000448xf32, #tpu.memory_space<hbm>>, %arg4: memref<32x1024x128xi32, #tpu.memory_space<hbm>>, %arg5: memref<32x1024x128xf32, #tpu.memory_space<hbm>>, %arg6: memref<1000448xf32, #tpu.memory_space<hbm>>, %arg7: memref<1000448xf32, #tpu.memory_space<hbm>>, %arg8: memref<16x128xi32, #tpu.memory_space<vmem>>, %arg9: memref<16x128xf32, #tpu.memory_space<vmem>>, %arg10: memref<62528xf32, #tpu.memory_space<vmem>>, %arg11: memref<1000448xf32, #tpu.memory_space<vmem_shared>>) attributes {dimension_semantics = [#tpu.dimension_semantics<core_parallel>, #tpu.dimension_semantics<subcore_parallel>], iteration_bounds = array<i64: 2, 16>, scalar_prefetch = 0 : i64, scratch_operands = 4 : i64, tpu.core_type = #tpu.core_type<sc_vector_subcore>, window_params = [{transform_indices = #map}, {transform_indices = #map}, {transform_indices = #map1}, {transform_indices = #map1}, {transform_indices = #map}, {transform_indices = #map}]} {
    %mul3A = arith.constant 16 : i32
    %mul3A_0 = arith.muli %arg0, %mul3A : i32
    %add3A = arith.addi %mul3A_0, %arg1 : i32
    %mul3A_1 = arith.constant 62528 : i32
    %mul3A_2 = arith.muli %arg1, %mul3A_1 : i32
    %eq3A = arith.constant 0 : i32
    %eq3A_3 = arith.cmpi eq, %arg0, %eq3A : i32
    %convert_element_type3A = arith.extui %eq3A_3 : i1 to i32
    %cond3A = arith.constant 0 : i32
    %cond3A_4 = arith.cmpi ne, %convert_element_type3A, %cond3A : i32
    scf.if %cond3A_4 {
      "tpu.region"() ({
        %run_scoped3A = tpu.sem_alloc : memref<!tpu.dma_semaphore, #tpu.memory_space<semaphore_mem>>
        %dma_start3A = tpu.memref_slice %arg2[%mul3A_2] : memref<1000448xf32, #tpu.memory_space<hbm>> -> memref<62528xf32, #tpu.memory_space<hbm>>
        %dma_start3A_25 = tpu.memref_slice %arg2[%mul3A_2] : memref<1000448xf32, #tpu.memory_space<hbm>> -> memref<62528xf32, #tpu.memory_space<hbm>>
        tpu.enqueue_dma source(%dma_start3A_25 : memref<62528xf32, #tpu.memory_space<hbm>>) target(%arg10 : memref<62528xf32, #tpu.memory_space<vmem>>) target_semaphore(%run_scoped3A : memref<!tpu.dma_semaphore, #tpu.memory_space<semaphore_mem>>)
        %dma_wait3A = tpu.memref_slice %arg2[%mul3A_2] : memref<1000448xf32, #tpu.memory_space<hbm>> -> memref<62528xf32, #tpu.memory_space<hbm>>
        %dma_wait3A_26 = tpu.memref_slice %arg2[%mul3A_2] : memref<1000448xf32, #tpu.memory_space<hbm>> -> memref<62528xf32, #tpu.memory_space<hbm>>
        tpu.wait_dma2 semaphore(%run_scoped3A : memref<!tpu.dma_semaphore, #tpu.memory_space<semaphore_mem>>) src(%dma_wait3A_26 : memref<62528xf32, #tpu.memory_space<hbm>>) dst(%arg10 : memref<62528xf32, #tpu.memory_space<vmem>>)
        tpu.yield
      }) : () -> ()
    } else {
    }
    %ne3A = arith.constant 0 : i32
    %ne3A_5 = arith.cmpi ne, %arg0, %ne3A : i32
    %convert_element_type3A_6 = arith.extui %ne3A_5 : i1 to i32
    %cond3A_7 = arith.constant 0 : i32
    %cond3A_8 = arith.cmpi ne, %convert_element_type3A_6, %cond3A_7 : i32
    scf.if %cond3A_8 {
      "tpu.region"() ({
        %run_scoped3A = tpu.sem_alloc : memref<!tpu.dma_semaphore, #tpu.memory_space<semaphore_mem>>
        %dma_start3A = tpu.memref_slice %arg3[%mul3A_2] : memref<1000448xf32, #tpu.memory_space<hbm>> -> memref<62528xf32, #tpu.memory_space<hbm>>
        %dma_start3A_25 = tpu.memref_slice %arg3[%mul3A_2] : memref<1000448xf32, #tpu.memory_space<hbm>> -> memref<62528xf32, #tpu.memory_space<hbm>>
        tpu.enqueue_dma source(%dma_start3A_25 : memref<62528xf32, #tpu.memory_space<hbm>>) target(%arg10 : memref<62528xf32, #tpu.memory_space<vmem>>) target_semaphore(%run_scoped3A : memref<!tpu.dma_semaphore, #tpu.memory_space<semaphore_mem>>)
        %dma_wait3A = tpu.memref_slice %arg3[%mul3A_2] : memref<1000448xf32, #tpu.memory_space<hbm>> -> memref<62528xf32, #tpu.memory_space<hbm>>
        %dma_wait3A_26 = tpu.memref_slice %arg3[%mul3A_2] : memref<1000448xf32, #tpu.memory_space<hbm>> -> memref<62528xf32, #tpu.memory_space<hbm>>
        tpu.wait_dma2 semaphore(%run_scoped3A : memref<!tpu.dma_semaphore, #tpu.memory_space<semaphore_mem>>) src(%dma_wait3A_26 : memref<62528xf32, #tpu.memory_space<hbm>>) dst(%arg10 : memref<62528xf32, #tpu.memory_space<vmem>>)
        tpu.yield
      }) : () -> ()
    } else {
    }
    "tpu.region"() ({
      %run_scoped3A = tpu.sem_alloc : memref<!tpu.dma_semaphore, #tpu.memory_space<semaphore_mem>>
      %dma_start3A = tpu.memref_slice %arg11[%mul3A_2] : memref<1000448xf32, #tpu.memory_space<vmem_shared>> -> memref<62528xf32, #tpu.memory_space<vmem_shared>>
      %dma_start3A_25 = tpu.memref_slice %arg11[%mul3A_2] : memref<1000448xf32, #tpu.memory_space<vmem_shared>> -> memref<62528xf32, #tpu.memory_space<vmem_shared>>
      tpu.enqueue_dma source(%arg10 : memref<62528xf32, #tpu.memory_space<vmem>>) target(%dma_start3A_25 : memref<62528xf32, #tpu.memory_space<vmem_shared>>) target_semaphore(%run_scoped3A : memref<!tpu.dma_semaphore, #tpu.memory_space<semaphore_mem>>)
      %dma_wait3A = tpu.memref_slice %arg11[%mul3A_2] : memref<1000448xf32, #tpu.memory_space<vmem_shared>> -> memref<62528xf32, #tpu.memory_space<vmem_shared>>
      %dma_wait3A_26 = tpu.memref_slice %arg11[%mul3A_2] : memref<1000448xf32, #tpu.memory_space<vmem_shared>> -> memref<62528xf32, #tpu.memory_space<vmem_shared>>
      tpu.wait_dma2 semaphore(%run_scoped3A : memref<!tpu.dma_semaphore, #tpu.memory_space<semaphore_mem>>) src(%arg10 : memref<62528xf32, #tpu.memory_space<vmem>>) dst(%dma_wait3A_26 : memref<62528xf32, #tpu.memory_space<vmem_shared>>)
      tpu.yield
    }) : () -> ()
    %barrier3A = arith.constant 0 : index
    tpu.barrier barrier_id(%barrier3A)
    %scan3A = arith.constant 0 : i32
    %scan3A_9 = arith.constant 0 : i32
    %scan3A_10 = arith.constant 64 : i32
    %scan3A_11 = arith.addi %scan3A_9, %scan3A_10 : i32
    %scan3A_12 = arith.constant 1 : i32
    scf.for %scan3A_25 = %scan3A_9 to %scan3A_11 step %scan3A_12  : i32 {
      %mul3A_26 = arith.constant 16 : i32
      %mul3A_27 = arith.muli %scan3A_25, %mul3A_26 : i32
      "tpu.region"() ({
        %run_scoped3A_59 = tpu.sem_alloc : memref<!tpu.dma_semaphore, #tpu.memory_space<semaphore_mem>>
        %dma_start3A = arith.constant 0 : i32
        %dma_start3A_60 = tpu.memref_slice %arg4[%add3A, %mul3A_27, %dma_start3A] : memref<32x1024x128xi32, #tpu.memory_space<hbm>> -> memref<1x16x128xi32, #tpu.memory_space<hbm>>
        %dma_start3A_61 = tpu.memref_squeeze %dma_start3A_60 : memref<1x16x128xi32, #tpu.memory_space<hbm>> -> memref<16x128xi32, #tpu.memory_space<hbm>>
        %dma_start3A_62 = arith.constant 0 : i32
        %dma_start3A_63 = tpu.memref_slice %arg4[%add3A, %mul3A_27, %dma_start3A_62] : memref<32x1024x128xi32, #tpu.memory_space<hbm>> -> memref<1x16x128xi32, #tpu.memory_space<hbm>>
        %dma_start3A_64 = tpu.memref_squeeze %dma_start3A_63 : memref<1x16x128xi32, #tpu.memory_space<hbm>> -> memref<16x128xi32, #tpu.memory_space<hbm>>
        tpu.enqueue_dma source(%dma_start3A_64 : memref<16x128xi32, #tpu.memory_space<hbm>>) target(%arg8 : memref<16x128xi32, #tpu.memory_space<vmem>>) target_semaphore(%run_scoped3A_59 : memref<!tpu.dma_semaphore, #tpu.memory_space<semaphore_mem>>)
        %dma_wait3A = arith.constant 0 : i32
        %dma_wait3A_65 = tpu.memref_slice %arg4[%add3A, %mul3A_27, %dma_wait3A] : memref<32x1024x128xi32, #tpu.memory_space<hbm>> -> memref<1x16x128xi32, #tpu.memory_space<hbm>>
        %dma_wait3A_66 = tpu.memref_squeeze %dma_wait3A_65 : memref<1x16x128xi32, #tpu.memory_space<hbm>> -> memref<16x128xi32, #tpu.memory_space<hbm>>
        %dma_wait3A_67 = arith.constant 0 : i32
        %dma_wait3A_68 = tpu.memref_slice %arg4[%add3A, %mul3A_27, %dma_wait3A_67] : memref<32x1024x128xi32, #tpu.memory_space<hbm>> -> memref<1x16x128xi32, #tpu.memory_space<hbm>>
        %dma_wait3A_69 = tpu.memref_squeeze %dma_wait3A_68 : memref<1x16x128xi32, #tpu.memory_space<hbm>> -> memref<16x128xi32, #tpu.memory_space<hbm>>
        tpu.wait_dma2 semaphore(%run_scoped3A_59 : memref<!tpu.dma_semaphore, #tpu.memory_space<semaphore_mem>>) src(%dma_wait3A_69 : memref<16x128xi32, #tpu.memory_space<hbm>>) dst(%arg8 : memref<16x128xi32, #tpu.memory_space<vmem>>)
        tpu.yield
      }) : () -> ()
      "tpu.region"() ({
        %run_scoped3A_59 = tpu.sem_alloc : memref<!tpu.dma_semaphore, #tpu.memory_space<semaphore_mem>>
        %dma_start3A = arith.constant 0 : i32
        %dma_start3A_60 = tpu.memref_slice %arg5[%add3A, %mul3A_27, %dma_start3A] : memref<32x1024x128xf32, #tpu.memory_space<hbm>> -> memref<1x16x128xf32, #tpu.memory_space<hbm>>
        %dma_start3A_61 = tpu.memref_squeeze %dma_start3A_60 : memref<1x16x128xf32, #tpu.memory_space<hbm>> -> memref<16x128xf32, #tpu.memory_space<hbm>>
        %dma_start3A_62 = arith.constant 0 : i32
        %dma_start3A_63 = tpu.memref_slice %arg5[%add3A, %mul3A_27, %dma_start3A_62] : memref<32x1024x128xf32, #tpu.memory_space<hbm>> -> memref<1x16x128xf32, #tpu.memory_space<hbm>>
        %dma_start3A_64 = tpu.memref_squeeze %dma_start3A_63 : memref<1x16x128xf32, #tpu.memory_space<hbm>> -> memref<16x128xf32, #tpu.memory_space<hbm>>
        tpu.enqueue_dma source(%dma_start3A_64 : memref<16x128xf32, #tpu.memory_space<hbm>>) target(%arg9 : memref<16x128xf32, #tpu.memory_space<vmem>>) target_semaphore(%run_scoped3A_59 : memref<!tpu.dma_semaphore, #tpu.memory_space<semaphore_mem>>)
        %dma_wait3A = arith.constant 0 : i32
        %dma_wait3A_65 = tpu.memref_slice %arg5[%add3A, %mul3A_27, %dma_wait3A] : memref<32x1024x128xf32, #tpu.memory_space<hbm>> -> memref<1x16x128xf32, #tpu.memory_space<hbm>>
        %dma_wait3A_66 = tpu.memref_squeeze %dma_wait3A_65 : memref<1x16x128xf32, #tpu.memory_space<hbm>> -> memref<16x128xf32, #tpu.memory_space<hbm>>
        %dma_wait3A_67 = arith.constant 0 : i32
        %dma_wait3A_68 = tpu.memref_slice %arg5[%add3A, %mul3A_27, %dma_wait3A_67] : memref<32x1024x128xf32, #tpu.memory_space<hbm>> -> memref<1x16x128xf32, #tpu.memory_space<hbm>>
        %dma_wait3A_69 = tpu.memref_squeeze %dma_wait3A_68 : memref<1x16x128xf32, #tpu.memory_space<hbm>> -> memref<16x128xf32, #tpu.memory_space<hbm>>
        tpu.wait_dma2 semaphore(%run_scoped3A_59 : memref<!tpu.dma_semaphore, #tpu.memory_space<semaphore_mem>>) src(%dma_wait3A_69 : memref<16x128xf32, #tpu.memory_space<hbm>>) dst(%arg9 : memref<16x128xf32, #tpu.memory_space<vmem>>)
        tpu.yield
      }) : () -> ()
      %run_scoped3A = arith.constant 0 : i32
      %run_scoped3A_28 = arith.constant 0 : i32
      "tpu.region"() ({
        %run_scoped3A_59 = tpu.sem_alloc : memref<!tpu.dma_semaphore, #tpu.memory_space<semaphore_mem>>
        %dma_start3A = arith.constant 0 : i32
        %dma_start3A_60 = tpu.memref_slice %arg9[%run_scoped3A, %dma_start3A] : memref<16x128xf32, #tpu.memory_space<vmem>> -> memref<1x128xf32, #tpu.memory_space<vmem>>
        %dma_start3A_61 = tpu.memref_squeeze %dma_start3A_60 : memref<1x128xf32, #tpu.memory_space<vmem>> -> memref<128xf32, #tpu.memory_space<vmem>>
        %dma_start3A_62 = arith.constant 0 : i32
        %dma_start3A_63 = tpu.memref_slice %arg8[%run_scoped3A_28, %dma_start3A_62] : memref<16x128xi32, #tpu.memory_space<vmem>> -> memref<1x128xi32, #tpu.memory_space<vmem>>
        %dma_start3A_64 = tpu.memref_squeeze %dma_start3A_63 : memref<1x128xi32, #tpu.memory_space<vmem>> -> memref<128xi32, #tpu.memory_space<vmem>>
        %dma_start3A_65 = arith.constant 0 : i32
        %dma_start3A_66 = tpu.memref_slice %arg11[%dma_start3A_65] : memref<1000448xf32, #tpu.memory_space<vmem_shared>> -> memref<1000448xf32, #tpu.memory_space<vmem_shared>>
        tpu.enqueue_indirect_dma source(%dma_start3A_61 : memref<128xf32, #tpu.memory_space<vmem>>) target(%dma_start3A_66 : memref<1000448xf32, #tpu.memory_space<vmem_shared>>) offsets(%dma_start3A_64 : memref<128xi32, #tpu.memory_space<vmem>>) semaphore(%run_scoped3A_59 : memref<!tpu.dma_semaphore, #tpu.memory_space<semaphore_mem>>) {add = true}
        %dma_wait3A = arith.constant 0 : i32
        %dma_wait3A_67 = tpu.memref_slice %arg9[%run_scoped3A, %dma_wait3A] : memref<16x128xf32, #tpu.memory_space<vmem>> -> memref<1x128xf32, #tpu.memory_space<vmem>>
        %dma_wait3A_68 = tpu.memref_squeeze %dma_wait3A_67 : memref<1x128xf32, #tpu.memory_space<vmem>> -> memref<128xf32, #tpu.memory_space<vmem>>
        %dma_wait3A_69 = arith.constant 0 : i32
        %dma_wait3A_70 = tpu.memref_slice %arg8[%run_scoped3A_28, %dma_wait3A_69] : memref<16x128xi32, #tpu.memory_space<vmem>> -> memref<1x128xi32, #tpu.memory_space<vmem>>
        %dma_wait3A_71 = tpu.memref_squeeze %dma_wait3A_70 : memref<1x128xi32, #tpu.memory_space<vmem>> -> memref<128xi32, #tpu.memory_space<vmem>>
        %dma_wait3A_72 = arith.constant 0 : i32
        %dma_wait3A_73 = tpu.memref_slice %arg11[%dma_wait3A_72] : memref<1000448xf32, #tpu.memory_space<vmem_shared>> -> memref<1000448xf32, #tpu.memory_space<vmem_shared>>
        tpu.wait_indirect_dma semaphore(%run_scoped3A_59 : memref<!tpu.dma_semaphore, #tpu.memory_space<semaphore_mem>>) src(%dma_wait3A_68 : memref<128xf32, #tpu.memory_space<vmem>>) dst(%dma_wait3A_73 : memref<1000448xf32, #tpu.memory_space<vmem_shared>>)
        tpu.yield
      }) : () -> ()
      %run_scoped3A_29 = arith.constant 1 : i32
      %run_scoped3A_30 = arith.constant 1 : i32
      "tpu.region"() ({
        %run_scoped3A_59 = tpu.sem_alloc : memref<!tpu.dma_semaphore, #tpu.memory_space<semaphore_mem>>
        %dma_start3A = arith.constant 0 : i32
        %dma_start3A_60 = tpu.memref_slice %arg9[%run_scoped3A_29, %dma_start3A] : memref<16x128xf32, #tpu.memory_space<vmem>> -> memref<1x128xf32, #tpu.memory_space<vmem>>
        %dma_start3A_61 = tpu.memref_squeeze %dma_start3A_60 : memref<1x128xf32, #tpu.memory_space<vmem>> -> memref<128xf32, #tpu.memory_space<vmem>>
        %dma_start3A_62 = arith.constant 0 : i32
        %dma_start3A_63 = tpu.memref_slice %arg8[%run_scoped3A_30, %dma_start3A_62] : memref<16x128xi32, #tpu.memory_space<vmem>> -> memref<1x128xi32, #tpu.memory_space<vmem>>
        %dma_start3A_64 = tpu.memref_squeeze %dma_start3A_63 : memref<1x128xi32, #tpu.memory_space<vmem>> -> memref<128xi32, #tpu.memory_space<vmem>>
        %dma_start3A_65 = arith.constant 0 : i32
        %dma_start3A_66 = tpu.memref_slice %arg11[%dma_start3A_65] : memref<1000448xf32, #tpu.memory_space<vmem_shared>> -> memref<1000448xf32, #tpu.memory_space<vmem_shared>>
        tpu.enqueue_indirect_dma source(%dma_start3A_61 : memref<128xf32, #tpu.memory_space<vmem>>) target(%dma_start3A_66 : memref<1000448xf32, #tpu.memory_space<vmem_shared>>) offsets(%dma_start3A_64 : memref<128xi32, #tpu.memory_space<vmem>>) semaphore(%run_scoped3A_59 : memref<!tpu.dma_semaphore, #tpu.memory_space<semaphore_mem>>) {add = true}
        %dma_wait3A = arith.constant 0 : i32
        %dma_wait3A_67 = tpu.memref_slice %arg9[%run_scoped3A_29, %dma_wait3A] : memref<16x128xf32, #tpu.memory_space<vmem>> -> memref<1x128xf32, #tpu.memory_space<vmem>>
        %dma_wait3A_68 = tpu.memref_squeeze %dma_wait3A_67 : memref<1x128xf32, #tpu.memory_space<vmem>> -> memref<128xf32, #tpu.memory_space<vmem>>
        %dma_wait3A_69 = arith.constant 0 : i32
        %dma_wait3A_70 = tpu.memref_slice %arg8[%run_scoped3A_30, %dma_wait3A_69] : memref<16x128xi32, #tpu.memory_space<vmem>> -> memref<1x128xi32, #tpu.memory_space<vmem>>
        %dma_wait3A_71 = tpu.memref_squeeze %dma_wait3A_70 : memref<1x128xi32, #tpu.memory_space<vmem>> -> memref<128xi32, #tpu.memory_space<vmem>>
        %dma_wait3A_72 = arith.constant 0 : i32
        %dma_wait3A_73 = tpu.memref_slice %arg11[%dma_wait3A_72] : memref<1000448xf32, #tpu.memory_space<vmem_shared>> -> memref<1000448xf32, #tpu.memory_space<vmem_shared>>
        tpu.wait_indirect_dma semaphore(%run_scoped3A_59 : memref<!tpu.dma_semaphore, #tpu.memory_space<semaphore_mem>>) src(%dma_wait3A_68 : memref<128xf32, #tpu.memory_space<vmem>>) dst(%dma_wait3A_73 : memref<1000448xf32, #tpu.memory_space<vmem_shared>>)
        tpu.yield
      }) : () -> ()
      %run_scoped3A_31 = arith.constant 2 : i32
      %run_scoped3A_32 = arith.constant 2 : i32
      "tpu.region"() ({
        %run_scoped3A_59 = tpu.sem_alloc : memref<!tpu.dma_semaphore, #tpu.memory_space<semaphore_mem>>
        %dma_start3A = arith.constant 0 : i32
        %dma_start3A_60 = tpu.memref_slice %arg9[%run_scoped3A_31, %dma_start3A] : memref<16x128xf32, #tpu.memory_space<vmem>> -> memref<1x128xf32, #tpu.memory_space<vmem>>
        %dma_start3A_61 = tpu.memref_squeeze %dma_start3A_60 : memref<1x128xf32, #tpu.memory_space<vmem>> -> memref<128xf32, #tpu.memory_space<vmem>>
        %dma_start3A_62 = arith.constant 0 : i32
        %dma_start3A_63 = tpu.memref_slice %arg8[%run_scoped3A_32, %dma_start3A_62] : memref<16x128xi32, #tpu.memory_space<vmem>> -> memref<1x128xi32, #tpu.memory_space<vmem>>
        %dma_start3A_64 = tpu.memref_squeeze %dma_start3A_63 : memref<1x128xi32, #tpu.memory_space<vmem>> -> memref<128xi32, #tpu.memory_space<vmem>>
        %dma_start3A_65 = arith.constant 0 : i32
        %dma_start3A_66 = tpu.memref_slice %arg11[%dma_start3A_65] : memref<1000448xf32, #tpu.memory_space<vmem_shared>> -> memref<1000448xf32, #tpu.memory_space<vmem_shared>>
        tpu.enqueue_indirect_dma source(%dma_start3A_61 : memref<128xf32, #tpu.memory_space<vmem>>) target(%dma_start3A_66 : memref<1000448xf32, #tpu.memory_space<vmem_shared>>) offsets(%dma_start3A_64 : memref<128xi32, #tpu.memory_space<vmem>>) semaphore(%run_scoped3A_59 : memref<!tpu.dma_semaphore, #tpu.memory_space<semaphore_mem>>) {add = true}
        %dma_wait3A = arith.constant 0 : i32
        %dma_wait3A_67 = tpu.memref_slice %arg9[%run_scoped3A_31, %dma_wait3A] : memref<16x128xf32, #tpu.memory_space<vmem>> -> memref<1x128xf32, #tpu.memory_space<vmem>>
        %dma_wait3A_68 = tpu.memref_squeeze %dma_wait3A_67 : memref<1x128xf32, #tpu.memory_space<vmem>> -> memref<128xf32, #tpu.memory_space<vmem>>
        %dma_wait3A_69 = arith.constant 0 : i32
        %dma_wait3A_70 = tpu.memref_slice %arg8[%run_scoped3A_32, %dma_wait3A_69] : memref<16x128xi32, #tpu.memory_space<vmem>> -> memref<1x128xi32, #tpu.memory_space<vmem>>
        %dma_wait3A_71 = tpu.memref_squeeze %dma_wait3A_70 : memref<1x128xi32, #tpu.memory_space<vmem>> -> memref<128xi32, #tpu.memory_space<vmem>>
        %dma_wait3A_72 = arith.constant 0 : i32
        %dma_wait3A_73 = tpu.memref_slice %arg11[%dma_wait3A_72] : memref<1000448xf32, #tpu.memory_space<vmem_shared>> -> memref<1000448xf32, #tpu.memory_space<vmem_shared>>
        tpu.wait_indirect_dma semaphore(%run_scoped3A_59 : memref<!tpu.dma_semaphore, #tpu.memory_space<semaphore_mem>>) src(%dma_wait3A_68 : memref<128xf32, #tpu.memory_space<vmem>>) dst(%dma_wait3A_73 : memref<1000448xf32, #tpu.memory_space<vmem_shared>>)
        tpu.yield
      }) : () -> ()
      %run_scoped3A_33 = arith.constant 3 : i32
      %run_scoped3A_34 = arith.constant 3 : i32
      "tpu.region"() ({
        %run_scoped3A_59 = tpu.sem_alloc : memref<!tpu.dma_semaphore, #tpu.memory_space<semaphore_mem>>
        %dma_start3A = arith.constant 0 : i32
        %dma_start3A_60 = tpu.memref_slice %arg9[%run_scoped3A_33, %dma_start3A] : memref<16x128xf32, #tpu.memory_space<vmem>> -> memref<1x128xf32, #tpu.memory_space<vmem>>
        %dma_start3A_61 = tpu.memref_squeeze %dma_start3A_60 : memref<1x128xf32, #tpu.memory_space<vmem>> -> memref<128xf32, #tpu.memory_space<vmem>>
        %dma_start3A_62 = arith.constant 0 : i32
        %dma_start3A_63 = tpu.memref_slice %arg8[%run_scoped3A_34, %dma_start3A_62] : memref<16x128xi32, #tpu.memory_space<vmem>> -> memref<1x128xi32, #tpu.memory_space<vmem>>
        %dma_start3A_64 = tpu.memref_squeeze %dma_start3A_63 : memref<1x128xi32, #tpu.memory_space<vmem>> -> memref<128xi32, #tpu.memory_space<vmem>>
        %dma_start3A_65 = arith.constant 0 : i32
        %dma_start3A_66 = tpu.memref_slice %arg11[%dma_start3A_65] : memref<1000448xf32, #tpu.memory_space<vmem_shared>> -> memref<1000448xf32, #tpu.memory_space<vmem_shared>>
        tpu.enqueue_indirect_dma source(%dma_start3A_61 : memref<128xf32, #tpu.memory_space<vmem>>) target(%dma_start3A_66 : memref<1000448xf32, #tpu.memory_space<vmem_shared>>) offsets(%dma_start3A_64 : memref<128xi32, #tpu.memory_space<vmem>>) semaphore(%run_scoped3A_59 : memref<!tpu.dma_semaphore, #tpu.memory_space<semaphore_mem>>) {add = true}
        %dma_wait3A = arith.constant 0 : i32
        %dma_wait3A_67 = tpu.memref_slice %arg9[%run_scoped3A_33, %dma_wait3A] : memref<16x128xf32, #tpu.memory_space<vmem>> -> memref<1x128xf32, #tpu.memory_space<vmem>>
        %dma_wait3A_68 = tpu.memref_squeeze %dma_wait3A_67 : memref<1x128xf32, #tpu.memory_space<vmem>> -> memref<128xf32, #tpu.memory_space<vmem>>
        %dma_wait3A_69 = arith.constant 0 : i32
        %dma_wait3A_70 = tpu.memref_slice %arg8[%run_scoped3A_34, %dma_wait3A_69] : memref<16x128xi32, #tpu.memory_space<vmem>> -> memref<1x128xi32, #tpu.memory_space<vmem>>
        %dma_wait3A_71 = tpu.memref_squeeze %dma_wait3A_70 : memref<1x128xi32, #tpu.memory_space<vmem>> -> memref<128xi32, #tpu.memory_space<vmem>>
        %dma_wait3A_72 = arith.constant 0 : i32
        %dma_wait3A_73 = tpu.memref_slice %arg11[%dma_wait3A_72] : memref<1000448xf32, #tpu.memory_space<vmem_shared>> -> memref<1000448xf32, #tpu.memory_space<vmem_shared>>
        tpu.wait_indirect_dma semaphore(%run_scoped3A_59 : memref<!tpu.dma_semaphore, #tpu.memory_space<semaphore_mem>>) src(%dma_wait3A_68 : memref<128xf32, #tpu.memory_space<vmem>>) dst(%dma_wait3A_73 : memref<1000448xf32, #tpu.memory_space<vmem_shared>>)
        tpu.yield
      }) : () -> ()
      %run_scoped3A_35 = arith.constant 4 : i32
      %run_scoped3A_36 = arith.constant 4 : i32
      "tpu.region"() ({
        %run_scoped3A_59 = tpu.sem_alloc : memref<!tpu.dma_semaphore, #tpu.memory_space<semaphore_mem>>
        %dma_start3A = arith.constant 0 : i32
        %dma_start3A_60 = tpu.memref_slice %arg9[%run_scoped3A_35, %dma_start3A] : memref<16x128xf32, #tpu.memory_space<vmem>> -> memref<1x128xf32, #tpu.memory_space<vmem>>
        %dma_start3A_61 = tpu.memref_squeeze %dma_start3A_60 : memref<1x128xf32, #tpu.memory_space<vmem>> -> memref<128xf32, #tpu.memory_space<vmem>>
        %dma_start3A_62 = arith.constant 0 : i32
        %dma_start3A_63 = tpu.memref_slice %arg8[%run_scoped3A_36, %dma_start3A_62] : memref<16x128xi32, #tpu.memory_space<vmem>> -> memref<1x128xi32, #tpu.memory_space<vmem>>
        %dma_start3A_64 = tpu.memref_squeeze %dma_start3A_63 : memref<1x128xi32, #tpu.memory_space<vmem>> -> memref<128xi32, #tpu.memory_space<vmem>>
        %dma_start3A_65 = arith.constant 0 : i32
        %dma_start3A_66 = tpu.memref_slice %arg11[%dma_start3A_65] : memref<1000448xf32, #tpu.memory_space<vmem_shared>> -> memref<1000448xf32, #tpu.memory_space<vmem_shared>>
        tpu.enqueue_indirect_dma source(%dma_start3A_61 : memref<128xf32, #tpu.memory_space<vmem>>) target(%dma_start3A_66 : memref<1000448xf32, #tpu.memory_space<vmem_shared>>) offsets(%dma_start3A_64 : memref<128xi32, #tpu.memory_space<vmem>>) semaphore(%run_scoped3A_59 : memref<!tpu.dma_semaphore, #tpu.memory_space<semaphore_mem>>) {add = true}
        %dma_wait3A = arith.constant 0 : i32
        %dma_wait3A_67 = tpu.memref_slice %arg9[%run_scoped3A_35, %dma_wait3A] : memref<16x128xf32, #tpu.memory_space<vmem>> -> memref<1x128xf32, #tpu.memory_space<vmem>>
        %dma_wait3A_68 = tpu.memref_squeeze %dma_wait3A_67 : memref<1x128xf32, #tpu.memory_space<vmem>> -> memref<128xf32, #tpu.memory_space<vmem>>
        %dma_wait3A_69 = arith.constant 0 : i32
        %dma_wait3A_70 = tpu.memref_slice %arg8[%run_scoped3A_36, %dma_wait3A_69] : memref<16x128xi32, #tpu.memory_space<vmem>> -> memref<1x128xi32, #tpu.memory_space<vmem>>
        %dma_wait3A_71 = tpu.memref_squeeze %dma_wait3A_70 : memref<1x128xi32, #tpu.memory_space<vmem>> -> memref<128xi32, #tpu.memory_space<vmem>>
        %dma_wait3A_72 = arith.constant 0 : i32
        %dma_wait3A_73 = tpu.memref_slice %arg11[%dma_wait3A_72] : memref<1000448xf32, #tpu.memory_space<vmem_shared>> -> memref<1000448xf32, #tpu.memory_space<vmem_shared>>
        tpu.wait_indirect_dma semaphore(%run_scoped3A_59 : memref<!tpu.dma_semaphore, #tpu.memory_space<semaphore_mem>>) src(%dma_wait3A_68 : memref<128xf32, #tpu.memory_space<vmem>>) dst(%dma_wait3A_73 : memref<1000448xf32, #tpu.memory_space<vmem_shared>>)
        tpu.yield
      }) : () -> ()
      %run_scoped3A_37 = arith.constant 5 : i32
      %run_scoped3A_38 = arith.constant 5 : i32
      "tpu.region"() ({
        %run_scoped3A_59 = tpu.sem_alloc : memref<!tpu.dma_semaphore, #tpu.memory_space<semaphore_mem>>
        %dma_start3A = arith.constant 0 : i32
        %dma_start3A_60 = tpu.memref_slice %arg9[%run_scoped3A_37, %dma_start3A] : memref<16x128xf32, #tpu.memory_space<vmem>> -> memref<1x128xf32, #tpu.memory_space<vmem>>
        %dma_start3A_61 = tpu.memref_squeeze %dma_start3A_60 : memref<1x128xf32, #tpu.memory_space<vmem>> -> memref<128xf32, #tpu.memory_space<vmem>>
        %dma_start3A_62 = arith.constant 0 : i32
        %dma_start3A_63 = tpu.memref_slice %arg8[%run_scoped3A_38, %dma_start3A_62] : memref<16x128xi32, #tpu.memory_space<vmem>> -> memref<1x128xi32, #tpu.memory_space<vmem>>
        %dma_start3A_64 = tpu.memref_squeeze %dma_start3A_63 : memref<1x128xi32, #tpu.memory_space<vmem>> -> memref<128xi32, #tpu.memory_space<vmem>>
        %dma_start3A_65 = arith.constant 0 : i32
        %dma_start3A_66 = tpu.memref_slice %arg11[%dma_start3A_65] : memref<1000448xf32, #tpu.memory_space<vmem_shared>> -> memref<1000448xf32, #tpu.memory_space<vmem_shared>>
        tpu.enqueue_indirect_dma source(%dma_start3A_61 : memref<128xf32, #tpu.memory_space<vmem>>) target(%dma_start3A_66 : memref<1000448xf32, #tpu.memory_space<vmem_shared>>) offsets(%dma_start3A_64 : memref<128xi32, #tpu.memory_space<vmem>>) semaphore(%run_scoped3A_59 : memref<!tpu.dma_semaphore, #tpu.memory_space<semaphore_mem>>) {add = true}
        %dma_wait3A = arith.constant 0 : i32
        %dma_wait3A_67 = tpu.memref_slice %arg9[%run_scoped3A_37, %dma_wait3A] : memref<16x128xf32, #tpu.memory_space<vmem>> -> memref<1x128xf32, #tpu.memory_space<vmem>>
        %dma_wait3A_68 = tpu.memref_squeeze %dma_wait3A_67 : memref<1x128xf32, #tpu.memory_space<vmem>> -> memref<128xf32, #tpu.memory_space<vmem>>
        %dma_wait3A_69 = arith.constant 0 : i32
        %dma_wait3A_70 = tpu.memref_slice %arg8[%run_scoped3A_38, %dma_wait3A_69] : memref<16x128xi32, #tpu.memory_space<vmem>> -> memref<1x128xi32, #tpu.memory_space<vmem>>
        %dma_wait3A_71 = tpu.memref_squeeze %dma_wait3A_70 : memref<1x128xi32, #tpu.memory_space<vmem>> -> memref<128xi32, #tpu.memory_space<vmem>>
        %dma_wait3A_72 = arith.constant 0 : i32
        %dma_wait3A_73 = tpu.memref_slice %arg11[%dma_wait3A_72] : memref<1000448xf32, #tpu.memory_space<vmem_shared>> -> memref<1000448xf32, #tpu.memory_space<vmem_shared>>
        tpu.wait_indirect_dma semaphore(%run_scoped3A_59 : memref<!tpu.dma_semaphore, #tpu.memory_space<semaphore_mem>>) src(%dma_wait3A_68 : memref<128xf32, #tpu.memory_space<vmem>>) dst(%dma_wait3A_73 : memref<1000448xf32, #tpu.memory_space<vmem_shared>>)
        tpu.yield
      }) : () -> ()
      %run_scoped3A_39 = arith.constant 6 : i32
      %run_scoped3A_40 = arith.constant 6 : i32
      "tpu.region"() ({
        %run_scoped3A_59 = tpu.sem_alloc : memref<!tpu.dma_semaphore, #tpu.memory_space<semaphore_mem>>
        %dma_start3A = arith.constant 0 : i32
        %dma_start3A_60 = tpu.memref_slice %arg9[%run_scoped3A_39, %dma_start3A] : memref<16x128xf32, #tpu.memory_space<vmem>> -> memref<1x128xf32, #tpu.memory_space<vmem>>
        %dma_start3A_61 = tpu.memref_squeeze %dma_start3A_60 : memref<1x128xf32, #tpu.memory_space<vmem>> -> memref<128xf32, #tpu.memory_space<vmem>>
        %dma_start3A_62 = arith.constant 0 : i32
        %dma_start3A_63 = tpu.memref_slice %arg8[%run_scoped3A_40, %dma_start3A_62] : memref<16x128xi32, #tpu.memory_space<vmem>> -> memref<1x128xi32, #tpu.memory_space<vmem>>
        %dma_start3A_64 = tpu.memref_squeeze %dma_start3A_63 : memref<1x128xi32, #tpu.memory_space<vmem>> -> memref<128xi32, #tpu.memory_space<vmem>>
        %dma_start3A_65 = arith.constant 0 : i32
        %dma_start3A_66 = tpu.memref_slice %arg11[%dma_start3A_65] : memref<1000448xf32, #tpu.memory_space<vmem_shared>> -> memref<1000448xf32, #tpu.memory_space<vmem_shared>>
        tpu.enqueue_indirect_dma source(%dma_start3A_61 : memref<128xf32, #tpu.memory_space<vmem>>) target(%dma_start3A_66 : memref<1000448xf32, #tpu.memory_space<vmem_shared>>) offsets(%dma_start3A_64 : memref<128xi32, #tpu.memory_space<vmem>>) semaphore(%run_scoped3A_59 : memref<!tpu.dma_semaphore, #tpu.memory_space<semaphore_mem>>) {add = true}
        %dma_wait3A = arith.constant 0 : i32
        %dma_wait3A_67 = tpu.memref_slice %arg9[%run_scoped3A_39, %dma_wait3A] : memref<16x128xf32, #tpu.memory_space<vmem>> -> memref<1x128xf32, #tpu.memory_space<vmem>>
        %dma_wait3A_68 = tpu.memref_squeeze %dma_wait3A_67 : memref<1x128xf32, #tpu.memory_space<vmem>> -> memref<128xf32, #tpu.memory_space<vmem>>
        %dma_wait3A_69 = arith.constant 0 : i32
        %dma_wait3A_70 = tpu.memref_slice %arg8[%run_scoped3A_40, %dma_wait3A_69] : memref<16x128xi32, #tpu.memory_space<vmem>> -> memref<1x128xi32, #tpu.memory_space<vmem>>
        %dma_wait3A_71 = tpu.memref_squeeze %dma_wait3A_70 : memref<1x128xi32, #tpu.memory_space<vmem>> -> memref<128xi32, #tpu.memory_space<vmem>>
        %dma_wait3A_72 = arith.constant 0 : i32
        %dma_wait3A_73 = tpu.memref_slice %arg11[%dma_wait3A_72] : memref<1000448xf32, #tpu.memory_space<vmem_shared>> -> memref<1000448xf32, #tpu.memory_space<vmem_shared>>
        tpu.wait_indirect_dma semaphore(%run_scoped3A_59 : memref<!tpu.dma_semaphore, #tpu.memory_space<semaphore_mem>>) src(%dma_wait3A_68 : memref<128xf32, #tpu.memory_space<vmem>>) dst(%dma_wait3A_73 : memref<1000448xf32, #tpu.memory_space<vmem_shared>>)
        tpu.yield
      }) : () -> ()
      %run_scoped3A_41 = arith.constant 7 : i32
      %run_scoped3A_42 = arith.constant 7 : i32
      "tpu.region"() ({
        %run_scoped3A_59 = tpu.sem_alloc : memref<!tpu.dma_semaphore, #tpu.memory_space<semaphore_mem>>
        %dma_start3A = arith.constant 0 : i32
        %dma_start3A_60 = tpu.memref_slice %arg9[%run_scoped3A_41, %dma_start3A] : memref<16x128xf32, #tpu.memory_space<vmem>> -> memref<1x128xf32, #tpu.memory_space<vmem>>
        %dma_start3A_61 = tpu.memref_squeeze %dma_start3A_60 : memref<1x128xf32, #tpu.memory_space<vmem>> -> memref<128xf32, #tpu.memory_space<vmem>>
        %dma_start3A_62 = arith.constant 0 : i32
        %dma_start3A_63 = tpu.memref_slice %arg8[%run_scoped3A_42, %dma_start3A_62] : memref<16x128xi32, #tpu.memory_space<vmem>> -> memref<1x128xi32, #tpu.memory_space<vmem>>
        %dma_start3A_64 = tpu.memref_squeeze %dma_start3A_63 : memref<1x128xi32, #tpu.memory_space<vmem>> -> memref<128xi32, #tpu.memory_space<vmem>>
        %dma_start3A_65 = arith.constant 0 : i32
        %dma_start3A_66 = tpu.memref_slice %arg11[%dma_start3A_65] : memref<1000448xf32, #tpu.memory_space<vmem_shared>> -> memref<1000448xf32, #tpu.memory_space<vmem_shared>>
        tpu.enqueue_indirect_dma source(%dma_start3A_61 : memref<128xf32, #tpu.memory_space<vmem>>) target(%dma_start3A_66 : memref<1000448xf32, #tpu.memory_space<vmem_shared>>) offsets(%dma_start3A_64 : memref<128xi32, #tpu.memory_space<vmem>>) semaphore(%run_scoped3A_59 : memref<!tpu.dma_semaphore, #tpu.memory_space<semaphore_mem>>) {add = true}
        %dma_wait3A = arith.constant 0 : i32
        %dma_wait3A_67 = tpu.memref_slice %arg9[%run_scoped3A_41, %dma_wait3A] : memref<16x128xf32, #tpu.memory_space<vmem>> -> memref<1x128xf32, #tpu.memory_space<vmem>>
        %dma_wait3A_68 = tpu.memref_squeeze %dma_wait3A_67 : memref<1x128xf32, #tpu.memory_space<vmem>> -> memref<128xf32, #tpu.memory_space<vmem>>
        %dma_wait3A_69 = arith.constant 0 : i32
        %dma_wait3A_70 = tpu.memref_slice %arg8[%run_scoped3A_42, %dma_wait3A_69] : memref<16x128xi32, #tpu.memory_space<vmem>> -> memref<1x128xi32, #tpu.memory_space<vmem>>
        %dma_wait3A_71 = tpu.memref_squeeze %dma_wait3A_70 : memref<1x128xi32, #tpu.memory_space<vmem>> -> memref<128xi32, #tpu.memory_space<vmem>>
        %dma_wait3A_72 = arith.constant 0 : i32
        %dma_wait3A_73 = tpu.memref_slice %arg11[%dma_wait3A_72] : memref<1000448xf32, #tpu.memory_space<vmem_shared>> -> memref<1000448xf32, #tpu.memory_space<vmem_shared>>
        tpu.wait_indirect_dma semaphore(%run_scoped3A_59 : memref<!tpu.dma_semaphore, #tpu.memory_space<semaphore_mem>>) src(%dma_wait3A_68 : memref<128xf32, #tpu.memory_space<vmem>>) dst(%dma_wait3A_73 : memref<1000448xf32, #tpu.memory_space<vmem_shared>>)
        tpu.yield
      }) : () -> ()
      %run_scoped3A_43 = arith.constant 8 : i32
      %run_scoped3A_44 = arith.constant 8 : i32
      "tpu.region"() ({
        %run_scoped3A_59 = tpu.sem_alloc : memref<!tpu.dma_semaphore, #tpu.memory_space<semaphore_mem>>
        %dma_start3A = arith.constant 0 : i32
        %dma_start3A_60 = tpu.memref_slice %arg9[%run_scoped3A_43, %dma_start3A] : memref<16x128xf32, #tpu.memory_space<vmem>> -> memref<1x128xf32, #tpu.memory_space<vmem>>
        %dma_start3A_61 = tpu.memref_squeeze %dma_start3A_60 : memref<1x128xf32, #tpu.memory_space<vmem>> -> memref<128xf32, #tpu.memory_space<vmem>>
        %dma_start3A_62 = arith.constant 0 : i32
        %dma_start3A_63 = tpu.memref_slice %arg8[%run_scoped3A_44, %dma_start3A_62] : memref<16x128xi32, #tpu.memory_space<vmem>> -> memref<1x128xi32, #tpu.memory_space<vmem>>
        %dma_start3A_64 = tpu.memref_squeeze %dma_start3A_63 : memref<1x128xi32, #tpu.memory_space<vmem>> -> memref<128xi32, #tpu.memory_space<vmem>>
        %dma_start3A_65 = arith.constant 0 : i32
        %dma_start3A_66 = tpu.memref_slice %arg11[%dma_start3A_65] : memref<1000448xf32, #tpu.memory_space<vmem_shared>> -> memref<1000448xf32, #tpu.memory_space<vmem_shared>>
        tpu.enqueue_indirect_dma source(%dma_start3A_61 : memref<128xf32, #tpu.memory_space<vmem>>) target(%dma_start3A_66 : memref<1000448xf32, #tpu.memory_space<vmem_shared>>) offsets(%dma_start3A_64 : memref<128xi32, #tpu.memory_space<vmem>>) semaphore(%run_scoped3A_59 : memref<!tpu.dma_semaphore, #tpu.memory_space<semaphore_mem>>) {add = true}
        %dma_wait3A = arith.constant 0 : i32
        %dma_wait3A_67 = tpu.memref_slice %arg9[%run_scoped3A_43, %dma_wait3A] : memref<16x128xf32, #tpu.memory_space<vmem>> -> memref<1x128xf32, #tpu.memory_space<vmem>>
        %dma_wait3A_68 = tpu.memref_squeeze %dma_wait3A_67 : memref<1x128xf32, #tpu.memory_space<vmem>> -> memref<128xf32, #tpu.memory_space<vmem>>
        %dma_wait3A_69 = arith.constant 0 : i32
        %dma_wait3A_70 = tpu.memref_slice %arg8[%run_scoped3A_44, %dma_wait3A_69] : memref<16x128xi32, #tpu.memory_space<vmem>> -> memref<1x128xi32, #tpu.memory_space<vmem>>
        %dma_wait3A_71 = tpu.memref_squeeze %dma_wait3A_70 : memref<1x128xi32, #tpu.memory_space<vmem>> -> memref<128xi32, #tpu.memory_space<vmem>>
        %dma_wait3A_72 = arith.constant 0 : i32
        %dma_wait3A_73 = tpu.memref_slice %arg11[%dma_wait3A_72] : memref<1000448xf32, #tpu.memory_space<vmem_shared>> -> memref<1000448xf32, #tpu.memory_space<vmem_shared>>
        tpu.wait_indirect_dma semaphore(%run_scoped3A_59 : memref<!tpu.dma_semaphore, #tpu.memory_space<semaphore_mem>>) src(%dma_wait3A_68 : memref<128xf32, #tpu.memory_space<vmem>>) dst(%dma_wait3A_73 : memref<1000448xf32, #tpu.memory_space<vmem_shared>>)
        tpu.yield
      }) : () -> ()
      %run_scoped3A_45 = arith.constant 9 : i32
      %run_scoped3A_46 = arith.constant 9 : i32
      "tpu.region"() ({
        %run_scoped3A_59 = tpu.sem_alloc : memref<!tpu.dma_semaphore, #tpu.memory_space<semaphore_mem>>
        %dma_start3A = arith.constant 0 : i32
        %dma_start3A_60 = tpu.memref_slice %arg9[%run_scoped3A_45, %dma_start3A] : memref<16x128xf32, #tpu.memory_space<vmem>> -> memref<1x128xf32, #tpu.memory_space<vmem>>
        %dma_start3A_61 = tpu.memref_squeeze %dma_start3A_60 : memref<1x128xf32, #tpu.memory_space<vmem>> -> memref<128xf32, #tpu.memory_space<vmem>>
        %dma_start3A_62 = arith.constant 0 : i32
        %dma_start3A_63 = tpu.memref_slice %arg8[%run_scoped3A_46, %dma_start3A_62] : memref<16x128xi32, #tpu.memory_space<vmem>> -> memref<1x128xi32, #tpu.memory_space<vmem>>
        %dma_start3A_64 = tpu.memref_squeeze %dma_start3A_63 : memref<1x128xi32, #tpu.memory_space<vmem>> -> memref<128xi32, #tpu.memory_space<vmem>>
        %dma_start3A_65 = arith.constant 0 : i32
        %dma_start3A_66 = tpu.memref_slice %arg11[%dma_start3A_65] : memref<1000448xf32, #tpu.memory_space<vmem_shared>> -> memref<1000448xf32, #tpu.memory_space<vmem_shared>>
        tpu.enqueue_indirect_dma source(%dma_start3A_61 : memref<128xf32, #tpu.memory_space<vmem>>) target(%dma_start3A_66 : memref<1000448xf32, #tpu.memory_space<vmem_shared>>) offsets(%dma_start3A_64 : memref<128xi32, #tpu.memory_space<vmem>>) semaphore(%run_scoped3A_59 : memref<!tpu.dma_semaphore, #tpu.memory_space<semaphore_mem>>) {add = true}
        %dma_wait3A = arith.constant 0 : i32
        %dma_wait3A_67 = tpu.memref_slice %arg9[%run_scoped3A_45, %dma_wait3A] : memref<16x128xf32, #tpu.memory_space<vmem>> -> memref<1x128xf32, #tpu.memory_space<vmem>>
        %dma_wait3A_68 = tpu.memref_squeeze %dma_wait3A_67 : memref<1x128xf32, #tpu.memory_space<vmem>> -> memref<128xf32, #tpu.memory_space<vmem>>
        %dma_wait3A_69 = arith.constant 0 : i32
        %dma_wait3A_70 = tpu.memref_slice %arg8[%run_scoped3A_46, %dma_wait3A_69] : memref<16x128xi32, #tpu.memory_space<vmem>> -> memref<1x128xi32, #tpu.memory_space<vmem>>
        %dma_wait3A_71 = tpu.memref_squeeze %dma_wait3A_70 : memref<1x128xi32, #tpu.memory_space<vmem>> -> memref<128xi32, #tpu.memory_space<vmem>>
        %dma_wait3A_72 = arith.constant 0 : i32
        %dma_wait3A_73 = tpu.memref_slice %arg11[%dma_wait3A_72] : memref<1000448xf32, #tpu.memory_space<vmem_shared>> -> memref<1000448xf32, #tpu.memory_space<vmem_shared>>
        tpu.wait_indirect_dma semaphore(%run_scoped3A_59 : memref<!tpu.dma_semaphore, #tpu.memory_space<semaphore_mem>>) src(%dma_wait3A_68 : memref<128xf32, #tpu.memory_space<vmem>>) dst(%dma_wait3A_73 : memref<1000448xf32, #tpu.memory_space<vmem_shared>>)
        tpu.yield
      }) : () -> ()
      %run_scoped3A_47 = arith.constant 10 : i32
      %run_scoped3A_48 = arith.constant 10 : i32
      "tpu.region"() ({
        %run_scoped3A_59 = tpu.sem_alloc : memref<!tpu.dma_semaphore, #tpu.memory_space<semaphore_mem>>
        %dma_start3A = arith.constant 0 : i32
        %dma_start3A_60 = tpu.memref_slice %arg9[%run_scoped3A_47, %dma_start3A] : memref<16x128xf32, #tpu.memory_space<vmem>> -> memref<1x128xf32, #tpu.memory_space<vmem>>
        %dma_start3A_61 = tpu.memref_squeeze %dma_start3A_60 : memref<1x128xf32, #tpu.memory_space<vmem>> -> memref<128xf32, #tpu.memory_space<vmem>>
        %dma_start3A_62 = arith.constant 0 : i32
        %dma_start3A_63 = tpu.memref_slice %arg8[%run_scoped3A_48, %dma_start3A_62] : memref<16x128xi32, #tpu.memory_space<vmem>> -> memref<1x128xi32, #tpu.memory_space<vmem>>
        %dma_start3A_64 = tpu.memref_squeeze %dma_start3A_63 : memref<1x128xi32, #tpu.memory_space<vmem>> -> memref<128xi32, #tpu.memory_space<vmem>>
        %dma_start3A_65 = arith.constant 0 : i32
        %dma_start3A_66 = tpu.memref_slice %arg11[%dma_start3A_65] : memref<1000448xf32, #tpu.memory_space<vmem_shared>> -> memref<1000448xf32, #tpu.memory_space<vmem_shared>>
        tpu.enqueue_indirect_dma source(%dma_start3A_61 : memref<128xf32, #tpu.memory_space<vmem>>) target(%dma_start3A_66 : memref<1000448xf32, #tpu.memory_space<vmem_shared>>) offsets(%dma_start3A_64 : memref<128xi32, #tpu.memory_space<vmem>>) semaphore(%run_scoped3A_59 : memref<!tpu.dma_semaphore, #tpu.memory_space<semaphore_mem>>) {add = true}
        %dma_wait3A = arith.constant 0 : i32
        %dma_wait3A_67 = tpu.memref_slice %arg9[%run_scoped3A_47, %dma_wait3A] : memref<16x128xf32, #tpu.memory_space<vmem>> -> memref<1x128xf32, #tpu.memory_space<vmem>>
        %dma_wait3A_68 = tpu.memref_squeeze %dma_wait3A_67 : memref<1x128xf32, #tpu.memory_space<vmem>> -> memref<128xf32, #tpu.memory_space<vmem>>
        %dma_wait3A_69 = arith.constant 0 : i32
        %dma_wait3A_70 = tpu.memref_slice %arg8[%run_scoped3A_48, %dma_wait3A_69] : memref<16x128xi32, #tpu.memory_space<vmem>> -> memref<1x128xi32, #tpu.memory_space<vmem>>
        %dma_wait3A_71 = tpu.memref_squeeze %dma_wait3A_70 : memref<1x128xi32, #tpu.memory_space<vmem>> -> memref<128xi32, #tpu.memory_space<vmem>>
        %dma_wait3A_72 = arith.constant 0 : i32
        %dma_wait3A_73 = tpu.memref_slice %arg11[%dma_wait3A_72] : memref<1000448xf32, #tpu.memory_space<vmem_shared>> -> memref<1000448xf32, #tpu.memory_space<vmem_shared>>
        tpu.wait_indirect_dma semaphore(%run_scoped3A_59 : memref<!tpu.dma_semaphore, #tpu.memory_space<semaphore_mem>>) src(%dma_wait3A_68 : memref<128xf32, #tpu.memory_space<vmem>>) dst(%dma_wait3A_73 : memref<1000448xf32, #tpu.memory_space<vmem_shared>>)
        tpu.yield
      }) : () -> ()
      %run_scoped3A_49 = arith.constant 11 : i32
      %run_scoped3A_50 = arith.constant 11 : i32
      "tpu.region"() ({
        %run_scoped3A_59 = tpu.sem_alloc : memref<!tpu.dma_semaphore, #tpu.memory_space<semaphore_mem>>
        %dma_start3A = arith.constant 0 : i32
        %dma_start3A_60 = tpu.memref_slice %arg9[%run_scoped3A_49, %dma_start3A] : memref<16x128xf32, #tpu.memory_space<vmem>> -> memref<1x128xf32, #tpu.memory_space<vmem>>
        %dma_start3A_61 = tpu.memref_squeeze %dma_start3A_60 : memref<1x128xf32, #tpu.memory_space<vmem>> -> memref<128xf32, #tpu.memory_space<vmem>>
        %dma_start3A_62 = arith.constant 0 : i32
        %dma_start3A_63 = tpu.memref_slice %arg8[%run_scoped3A_50, %dma_start3A_62] : memref<16x128xi32, #tpu.memory_space<vmem>> -> memref<1x128xi32, #tpu.memory_space<vmem>>
        %dma_start3A_64 = tpu.memref_squeeze %dma_start3A_63 : memref<1x128xi32, #tpu.memory_space<vmem>> -> memref<128xi32, #tpu.memory_space<vmem>>
        %dma_start3A_65 = arith.constant 0 : i32
        %dma_start3A_66 = tpu.memref_slice %arg11[%dma_start3A_65] : memref<1000448xf32, #tpu.memory_space<vmem_shared>> -> memref<1000448xf32, #tpu.memory_space<vmem_shared>>
        tpu.enqueue_indirect_dma source(%dma_start3A_61 : memref<128xf32, #tpu.memory_space<vmem>>) target(%dma_start3A_66 : memref<1000448xf32, #tpu.memory_space<vmem_shared>>) offsets(%dma_start3A_64 : memref<128xi32, #tpu.memory_space<vmem>>) semaphore(%run_scoped3A_59 : memref<!tpu.dma_semaphore, #tpu.memory_space<semaphore_mem>>) {add = true}
        %dma_wait3A = arith.constant 0 : i32
        %dma_wait3A_67 = tpu.memref_slice %arg9[%run_scoped3A_49, %dma_wait3A] : memref<16x128xf32, #tpu.memory_space<vmem>> -> memref<1x128xf32, #tpu.memory_space<vmem>>
        %dma_wait3A_68 = tpu.memref_squeeze %dma_wait3A_67 : memref<1x128xf32, #tpu.memory_space<vmem>> -> memref<128xf32, #tpu.memory_space<vmem>>
        %dma_wait3A_69 = arith.constant 0 : i32
        %dma_wait3A_70 = tpu.memref_slice %arg8[%run_scoped3A_50, %dma_wait3A_69] : memref<16x128xi32, #tpu.memory_space<vmem>> -> memref<1x128xi32, #tpu.memory_space<vmem>>
        %dma_wait3A_71 = tpu.memref_squeeze %dma_wait3A_70 : memref<1x128xi32, #tpu.memory_space<vmem>> -> memref<128xi32, #tpu.memory_space<vmem>>
        %dma_wait3A_72 = arith.constant 0 : i32
        %dma_wait3A_73 = tpu.memref_slice %arg11[%dma_wait3A_72] : memref<1000448xf32, #tpu.memory_space<vmem_shared>> -> memref<1000448xf32, #tpu.memory_space<vmem_shared>>
        tpu.wait_indirect_dma semaphore(%run_scoped3A_59 : memref<!tpu.dma_semaphore, #tpu.memory_space<semaphore_mem>>) src(%dma_wait3A_68 : memref<128xf32, #tpu.memory_space<vmem>>) dst(%dma_wait3A_73 : memref<1000448xf32, #tpu.memory_space<vmem_shared>>)
        tpu.yield
      }) : () -> ()
      %run_scoped3A_51 = arith.constant 12 : i32
      %run_scoped3A_52 = arith.constant 12 : i32
      "tpu.region"() ({
        %run_scoped3A_59 = tpu.sem_alloc : memref<!tpu.dma_semaphore, #tpu.memory_space<semaphore_mem>>
        %dma_start3A = arith.constant 0 : i32
        %dma_start3A_60 = tpu.memref_slice %arg9[%run_scoped3A_51, %dma_start3A] : memref<16x128xf32, #tpu.memory_space<vmem>> -> memref<1x128xf32, #tpu.memory_space<vmem>>
        %dma_start3A_61 = tpu.memref_squeeze %dma_start3A_60 : memref<1x128xf32, #tpu.memory_space<vmem>> -> memref<128xf32, #tpu.memory_space<vmem>>
        %dma_start3A_62 = arith.constant 0 : i32
        %dma_start3A_63 = tpu.memref_slice %arg8[%run_scoped3A_52, %dma_start3A_62] : memref<16x128xi32, #tpu.memory_space<vmem>> -> memref<1x128xi32, #tpu.memory_space<vmem>>
        %dma_start3A_64 = tpu.memref_squeeze %dma_start3A_63 : memref<1x128xi32, #tpu.memory_space<vmem>> -> memref<128xi32, #tpu.memory_space<vmem>>
        %dma_start3A_65 = arith.constant 0 : i32
        %dma_start3A_66 = tpu.memref_slice %arg11[%dma_start3A_65] : memref<1000448xf32, #tpu.memory_space<vmem_shared>> -> memref<1000448xf32, #tpu.memory_space<vmem_shared>>
        tpu.enqueue_indirect_dma source(%dma_start3A_61 : memref<128xf32, #tpu.memory_space<vmem>>) target(%dma_start3A_66 : memref<1000448xf32, #tpu.memory_space<vmem_shared>>) offsets(%dma_start3A_64 : memref<128xi32, #tpu.memory_space<vmem>>) semaphore(%run_scoped3A_59 : memref<!tpu.dma_semaphore, #tpu.memory_space<semaphore_mem>>) {add = true}
        %dma_wait3A = arith.constant 0 : i32
        %dma_wait3A_67 = tpu.memref_slice %arg9[%run_scoped3A_51, %dma_wait3A] : memref<16x128xf32, #tpu.memory_space<vmem>> -> memref<1x128xf32, #tpu.memory_space<vmem>>
        %dma_wait3A_68 = tpu.memref_squeeze %dma_wait3A_67 : memref<1x128xf32, #tpu.memory_space<vmem>> -> memref<128xf32, #tpu.memory_space<vmem>>
        %dma_wait3A_69 = arith.constant 0 : i32
        %dma_wait3A_70 = tpu.memref_slice %arg8[%run_scoped3A_52, %dma_wait3A_69] : memref<16x128xi32, #tpu.memory_space<vmem>> -> memref<1x128xi32, #tpu.memory_space<vmem>>
        %dma_wait3A_71 = tpu.memref_squeeze %dma_wait3A_70 : memref<1x128xi32, #tpu.memory_space<vmem>> -> memref<128xi32, #tpu.memory_space<vmem>>
        %dma_wait3A_72 = arith.constant 0 : i32
        %dma_wait3A_73 = tpu.memref_slice %arg11[%dma_wait3A_72] : memref<1000448xf32, #tpu.memory_space<vmem_shared>> -> memref<1000448xf32, #tpu.memory_space<vmem_shared>>
        tpu.wait_indirect_dma semaphore(%run_scoped3A_59 : memref<!tpu.dma_semaphore, #tpu.memory_space<semaphore_mem>>) src(%dma_wait3A_68 : memref<128xf32, #tpu.memory_space<vmem>>) dst(%dma_wait3A_73 : memref<1000448xf32, #tpu.memory_space<vmem_shared>>)
        tpu.yield
      }) : () -> ()
      %run_scoped3A_53 = arith.constant 13 : i32
      %run_scoped3A_54 = arith.constant 13 : i32
      "tpu.region"() ({
        %run_scoped3A_59 = tpu.sem_alloc : memref<!tpu.dma_semaphore, #tpu.memory_space<semaphore_mem>>
        %dma_start3A = arith.constant 0 : i32
        %dma_start3A_60 = tpu.memref_slice %arg9[%run_scoped3A_53, %dma_start3A] : memref<16x128xf32, #tpu.memory_space<vmem>> -> memref<1x128xf32, #tpu.memory_space<vmem>>
        %dma_start3A_61 = tpu.memref_squeeze %dma_start3A_60 : memref<1x128xf32, #tpu.memory_space<vmem>> -> memref<128xf32, #tpu.memory_space<vmem>>
        %dma_start3A_62 = arith.constant 0 : i32
        %dma_start3A_63 = tpu.memref_slice %arg8[%run_scoped3A_54, %dma_start3A_62] : memref<16x128xi32, #tpu.memory_space<vmem>> -> memref<1x128xi32, #tpu.memory_space<vmem>>
        %dma_start3A_64 = tpu.memref_squeeze %dma_start3A_63 : memref<1x128xi32, #tpu.memory_space<vmem>> -> memref<128xi32, #tpu.memory_space<vmem>>
        %dma_start3A_65 = arith.constant 0 : i32
        %dma_start3A_66 = tpu.memref_slice %arg11[%dma_start3A_65] : memref<1000448xf32, #tpu.memory_space<vmem_shared>> -> memref<1000448xf32, #tpu.memory_space<vmem_shared>>
        tpu.enqueue_indirect_dma source(%dma_start3A_61 : memref<128xf32, #tpu.memory_space<vmem>>) target(%dma_start3A_66 : memref<1000448xf32, #tpu.memory_space<vmem_shared>>) offsets(%dma_start3A_64 : memref<128xi32, #tpu.memory_space<vmem>>) semaphore(%run_scoped3A_59 : memref<!tpu.dma_semaphore, #tpu.memory_space<semaphore_mem>>) {add = true}
        %dma_wait3A = arith.constant 0 : i32
        %dma_wait3A_67 = tpu.memref_slice %arg9[%run_scoped3A_53, %dma_wait3A] : memref<16x128xf32, #tpu.memory_space<vmem>> -> memref<1x128xf32, #tpu.memory_space<vmem>>
        %dma_wait3A_68 = tpu.memref_squeeze %dma_wait3A_67 : memref<1x128xf32, #tpu.memory_space<vmem>> -> memref<128xf32, #tpu.memory_space<vmem>>
        %dma_wait3A_69 = arith.constant 0 : i32
        %dma_wait3A_70 = tpu.memref_slice %arg8[%run_scoped3A_54, %dma_wait3A_69] : memref<16x128xi32, #tpu.memory_space<vmem>> -> memref<1x128xi32, #tpu.memory_space<vmem>>
        %dma_wait3A_71 = tpu.memref_squeeze %dma_wait3A_70 : memref<1x128xi32, #tpu.memory_space<vmem>> -> memref<128xi32, #tpu.memory_space<vmem>>
        %dma_wait3A_72 = arith.constant 0 : i32
        %dma_wait3A_73 = tpu.memref_slice %arg11[%dma_wait3A_72] : memref<1000448xf32, #tpu.memory_space<vmem_shared>> -> memref<1000448xf32, #tpu.memory_space<vmem_shared>>
        tpu.wait_indirect_dma semaphore(%run_scoped3A_59 : memref<!tpu.dma_semaphore, #tpu.memory_space<semaphore_mem>>) src(%dma_wait3A_68 : memref<128xf32, #tpu.memory_space<vmem>>) dst(%dma_wait3A_73 : memref<1000448xf32, #tpu.memory_space<vmem_shared>>)
        tpu.yield
      }) : () -> ()
      %run_scoped3A_55 = arith.constant 14 : i32
      %run_scoped3A_56 = arith.constant 14 : i32
      "tpu.region"() ({
        %run_scoped3A_59 = tpu.sem_alloc : memref<!tpu.dma_semaphore, #tpu.memory_space<semaphore_mem>>
        %dma_start3A = arith.constant 0 : i32
        %dma_start3A_60 = tpu.memref_slice %arg9[%run_scoped3A_55, %dma_start3A] : memref<16x128xf32, #tpu.memory_space<vmem>> -> memref<1x128xf32, #tpu.memory_space<vmem>>
        %dma_start3A_61 = tpu.memref_squeeze %dma_start3A_60 : memref<1x128xf32, #tpu.memory_space<vmem>> -> memref<128xf32, #tpu.memory_space<vmem>>
        %dma_start3A_62 = arith.constant 0 : i32
        %dma_start3A_63 = tpu.memref_slice %arg8[%run_scoped3A_56, %dma_start3A_62] : memref<16x128xi32, #tpu.memory_space<vmem>> -> memref<1x128xi32, #tpu.memory_space<vmem>>
        %dma_start3A_64 = tpu.memref_squeeze %dma_start3A_63 : memref<1x128xi32, #tpu.memory_space<vmem>> -> memref<128xi32, #tpu.memory_space<vmem>>
        %dma_start3A_65 = arith.constant 0 : i32
        %dma_start3A_66 = tpu.memref_slice %arg11[%dma_start3A_65] : memref<1000448xf32, #tpu.memory_space<vmem_shared>> -> memref<1000448xf32, #tpu.memory_space<vmem_shared>>
        tpu.enqueue_indirect_dma source(%dma_start3A_61 : memref<128xf32, #tpu.memory_space<vmem>>) target(%dma_start3A_66 : memref<1000448xf32, #tpu.memory_space<vmem_shared>>) offsets(%dma_start3A_64 : memref<128xi32, #tpu.memory_space<vmem>>) semaphore(%run_scoped3A_59 : memref<!tpu.dma_semaphore, #tpu.memory_space<semaphore_mem>>) {add = true}
        %dma_wait3A = arith.constant 0 : i32
        %dma_wait3A_67 = tpu.memref_slice %arg9[%run_scoped3A_55, %dma_wait3A] : memref<16x128xf32, #tpu.memory_space<vmem>> -> memref<1x128xf32, #tpu.memory_space<vmem>>
        %dma_wait3A_68 = tpu.memref_squeeze %dma_wait3A_67 : memref<1x128xf32, #tpu.memory_space<vmem>> -> memref<128xf32, #tpu.memory_space<vmem>>
        %dma_wait3A_69 = arith.constant 0 : i32
        %dma_wait3A_70 = tpu.memref_slice %arg8[%run_scoped3A_56, %dma_wait3A_69] : memref<16x128xi32, #tpu.memory_space<vmem>> -> memref<1x128xi32, #tpu.memory_space<vmem>>
        %dma_wait3A_71 = tpu.memref_squeeze %dma_wait3A_70 : memref<1x128xi32, #tpu.memory_space<vmem>> -> memref<128xi32, #tpu.memory_space<vmem>>
        %dma_wait3A_72 = arith.constant 0 : i32
        %dma_wait3A_73 = tpu.memref_slice %arg11[%dma_wait3A_72] : memref<1000448xf32, #tpu.memory_space<vmem_shared>> -> memref<1000448xf32, #tpu.memory_space<vmem_shared>>
        tpu.wait_indirect_dma semaphore(%run_scoped3A_59 : memref<!tpu.dma_semaphore, #tpu.memory_space<semaphore_mem>>) src(%dma_wait3A_68 : memref<128xf32, #tpu.memory_space<vmem>>) dst(%dma_wait3A_73 : memref<1000448xf32, #tpu.memory_space<vmem_shared>>)
        tpu.yield
      }) : () -> ()
      %run_scoped3A_57 = arith.constant 15 : i32
      %run_scoped3A_58 = arith.constant 15 : i32
      "tpu.region"() ({
        %run_scoped3A_59 = tpu.sem_alloc : memref<!tpu.dma_semaphore, #tpu.memory_space<semaphore_mem>>
        %dma_start3A = arith.constant 0 : i32
        %dma_start3A_60 = tpu.memref_slice %arg9[%run_scoped3A_57, %dma_start3A] : memref<16x128xf32, #tpu.memory_space<vmem>> -> memref<1x128xf32, #tpu.memory_space<vmem>>
        %dma_start3A_61 = tpu.memref_squeeze %dma_start3A_60 : memref<1x128xf32, #tpu.memory_space<vmem>> -> memref<128xf32, #tpu.memory_space<vmem>>
        %dma_start3A_62 = arith.constant 0 : i32
        %dma_start3A_63 = tpu.memref_slice %arg8[%run_scoped3A_58, %dma_start3A_62] : memref<16x128xi32, #tpu.memory_space<vmem>> -> memref<1x128xi32, #tpu.memory_space<vmem>>
        %dma_start3A_64 = tpu.memref_squeeze %dma_start3A_63 : memref<1x128xi32, #tpu.memory_space<vmem>> -> memref<128xi32, #tpu.memory_space<vmem>>
        %dma_start3A_65 = arith.constant 0 : i32
        %dma_start3A_66 = tpu.memref_slice %arg11[%dma_start3A_65] : memref<1000448xf32, #tpu.memory_space<vmem_shared>> -> memref<1000448xf32, #tpu.memory_space<vmem_shared>>
        tpu.enqueue_indirect_dma source(%dma_start3A_61 : memref<128xf32, #tpu.memory_space<vmem>>) target(%dma_start3A_66 : memref<1000448xf32, #tpu.memory_space<vmem_shared>>) offsets(%dma_start3A_64 : memref<128xi32, #tpu.memory_space<vmem>>) semaphore(%run_scoped3A_59 : memref<!tpu.dma_semaphore, #tpu.memory_space<semaphore_mem>>) {add = true}
        %dma_wait3A = arith.constant 0 : i32
        %dma_wait3A_67 = tpu.memref_slice %arg9[%run_scoped3A_57, %dma_wait3A] : memref<16x128xf32, #tpu.memory_space<vmem>> -> memref<1x128xf32, #tpu.memory_space<vmem>>
        %dma_wait3A_68 = tpu.memref_squeeze %dma_wait3A_67 : memref<1x128xf32, #tpu.memory_space<vmem>> -> memref<128xf32, #tpu.memory_space<vmem>>
        %dma_wait3A_69 = arith.constant 0 : i32
        %dma_wait3A_70 = tpu.memref_slice %arg8[%run_scoped3A_58, %dma_wait3A_69] : memref<16x128xi32, #tpu.memory_space<vmem>> -> memref<1x128xi32, #tpu.memory_space<vmem>>
        %dma_wait3A_71 = tpu.memref_squeeze %dma_wait3A_70 : memref<1x128xi32, #tpu.memory_space<vmem>> -> memref<128xi32, #tpu.memory_space<vmem>>
        %dma_wait3A_72 = arith.constant 0 : i32
        %dma_wait3A_73 = tpu.memref_slice %arg11[%dma_wait3A_72] : memref<1000448xf32, #tpu.memory_space<vmem_shared>> -> memref<1000448xf32, #tpu.memory_space<vmem_shared>>
        tpu.wait_indirect_dma semaphore(%run_scoped3A_59 : memref<!tpu.dma_semaphore, #tpu.memory_space<semaphore_mem>>) src(%dma_wait3A_68 : memref<128xf32, #tpu.memory_space<vmem>>) dst(%dma_wait3A_73 : memref<1000448xf32, #tpu.memory_space<vmem_shared>>)
        tpu.yield
      }) : () -> ()
    }
    %scan3A_13 = arith.constant 64 : i32
    %barrier3A_14 = arith.constant 0 : index
    tpu.barrier barrier_id(%barrier3A_14)
    "tpu.region"() ({
      %run_scoped3A = tpu.sem_alloc : memref<!tpu.dma_semaphore, #tpu.memory_space<semaphore_mem>>
      %dma_start3A = tpu.memref_slice %arg11[%mul3A_2] : memref<1000448xf32, #tpu.memory_space<vmem_shared>> -> memref<62528xf32, #tpu.memory_space<vmem_shared>>
      %dma_start3A_25 = tpu.memref_slice %arg11[%mul3A_2] : memref<1000448xf32, #tpu.memory_space<vmem_shared>> -> memref<62528xf32, #tpu.memory_space<vmem_shared>>
      tpu.enqueue_dma source(%dma_start3A_25 : memref<62528xf32, #tpu.memory_space<vmem_shared>>) target(%arg10 : memref<62528xf32, #tpu.memory_space<vmem>>) target_semaphore(%run_scoped3A : memref<!tpu.dma_semaphore, #tpu.memory_space<semaphore_mem>>)
      %dma_wait3A = tpu.memref_slice %arg11[%mul3A_2] : memref<1000448xf32, #tpu.memory_space<vmem_shared>> -> memref<62528xf32, #tpu.memory_space<vmem_shared>>
      %dma_wait3A_26 = tpu.memref_slice %arg11[%mul3A_2] : memref<1000448xf32, #tpu.memory_space<vmem_shared>> -> memref<62528xf32, #tpu.memory_space<vmem_shared>>
      tpu.wait_dma2 semaphore(%run_scoped3A : memref<!tpu.dma_semaphore, #tpu.memory_space<semaphore_mem>>) src(%dma_wait3A_26 : memref<62528xf32, #tpu.memory_space<vmem_shared>>) dst(%arg10 : memref<62528xf32, #tpu.memory_space<vmem>>)
      tpu.yield
    }) : () -> ()
    %eq3A_15 = arith.constant 0 : i32
    %eq3A_16 = arith.cmpi eq, %arg0, %eq3A_15 : i32
    %convert_element_type3A_17 = arith.extui %eq3A_16 : i1 to i32
    %cond3A_18 = arith.constant 0 : i32
    %cond3A_19 = arith.cmpi ne, %convert_element_type3A_17, %cond3A_18 : i32
    scf.if %cond3A_19 {
      "tpu.region"() ({
        %run_scoped3A = tpu.sem_alloc : memref<!tpu.dma_semaphore, #tpu.memory_space<semaphore_mem>>
        %dma_start3A = tpu.memref_slice %arg6[%mul3A_2] : memref<1000448xf32, #tpu.memory_space<hbm>> -> memref<62528xf32, #tpu.memory_space<hbm>>
        %dma_start3A_25 = tpu.memref_slice %arg6[%mul3A_2] : memref<1000448xf32, #tpu.memory_space<hbm>> -> memref<62528xf32, #tpu.memory_space<hbm>>
        tpu.enqueue_dma source(%arg10 : memref<62528xf32, #tpu.memory_space<vmem>>) target(%dma_start3A_25 : memref<62528xf32, #tpu.memory_space<hbm>>) target_semaphore(%run_scoped3A : memref<!tpu.dma_semaphore, #tpu.memory_space<semaphore_mem>>)
        %dma_wait3A = tpu.memref_slice %arg6[%mul3A_2] : memref<1000448xf32, #tpu.memory_space<hbm>> -> memref<62528xf32, #tpu.memory_space<hbm>>
        %dma_wait3A_26 = tpu.memref_slice %arg6[%mul3A_2] : memref<1000448xf32, #tpu.memory_space<hbm>> -> memref<62528xf32, #tpu.memory_space<hbm>>
        tpu.wait_dma2 semaphore(%run_scoped3A : memref<!tpu.dma_semaphore, #tpu.memory_space<semaphore_mem>>) src(%arg10 : memref<62528xf32, #tpu.memory_space<vmem>>) dst(%dma_wait3A_26 : memref<62528xf32, #tpu.memory_space<hbm>>)
        tpu.yield
      }) : () -> ()
    } else {
    }
    %ne3A_20 = arith.constant 0 : i32
    %ne3A_21 = arith.cmpi ne, %arg0, %ne3A_20 : i32
    %convert_element_type3A_22 = arith.extui %ne3A_21 : i1 to i32
    %cond3A_23 = arith.constant 0 : i32
    %cond3A_24 = arith.cmpi ne, %convert_element_type3A_22, %cond3A_23 : i32
    scf.if %cond3A_24 {
      "tpu.region"() ({
        %run_scoped3A = tpu.sem_alloc : memref<!tpu.dma_semaphore, #tpu.memory_space<semaphore_mem>>
        %dma_start3A = tpu.memref_slice %arg7[%mul3A_2] : memref<1000448xf32, #tpu.memory_space<hbm>> -> memref<62528xf32, #tpu.memory_space<hbm>>
        %dma_start3A_25 = tpu.memref_slice %arg7[%mul3A_2] : memref<1000448xf32, #tpu.memory_space<hbm>> -> memref<62528xf32, #tpu.memory_space<hbm>>
        tpu.enqueue_dma source(%arg10 : memref<62528xf32, #tpu.memory_space<vmem>>) target(%dma_start3A_25 : memref<62528xf32, #tpu.memory_space<hbm>>) target_semaphore(%run_scoped3A : memref<!tpu.dma_semaphore, #tpu.memory_space<semaphore_mem>>)
        %dma_wait3A = tpu.memref_slice %arg7[%mul3A_2] : memref<1000448xf32, #tpu.memory_space<hbm>> -> memref<62528xf32, #tpu.memory_space<hbm>>
        %dma_wait3A_26 = tpu.memref_slice %arg7[%mul3A_2] : memref<1000448xf32, #tpu.memory_space<hbm>> -> memref<62528xf32, #tpu.memory_space<hbm>>
        tpu.wait_dma2 semaphore(%run_scoped3A : memref<!tpu.dma_semaphore, #tpu.memory_space<semaphore_mem>>) src(%arg10 : memref<62528xf32, #tpu.memory_space<vmem>>) dst(%dma_wait3A_26 : memref<62528xf32, #tpu.memory_space<hbm>>)
        tpu.yield
      }) : () -> ()
    } else {
    }
    return
  }
}

module attributes {stable_mosaic.version = 14 : i64} {
  func.func @_combine_body(%arg0: memref<7816x128xf32, #tpu.memory_space<vmem>>, %arg1: memref<7816x128xf32, #tpu.memory_space<vmem>>, %arg2: memref<7816x128xf32, #tpu.memory_space<vmem>>) attributes {dimension_semantics = [], scalar_prefetch = 0 : i64, scratch_operands = 0 : i64, tpu.core_type = #tpu.core_type<tc>} {
    %get3A = arith.constant 0 : index
    %get3A_0 = arith.constant 0 : index
    %get3A_1 = vector.load %arg0[%get3A, %get3A_0] : memref<7816x128xf32, #tpu.memory_space<vmem>>, vector<7816x128xf32>
    %get3A_2 = arith.constant 0 : index
    %get3A_3 = arith.constant 0 : index
    %get3A_4 = vector.load %arg1[%get3A_2, %get3A_3] : memref<7816x128xf32, #tpu.memory_space<vmem>>, vector<7816x128xf32>
    %add3A = arith.addf %get3A_1, %get3A_4 : vector<7816x128xf32>
    %swap3A = arith.constant 0 : index
    %swap3A_5 = arith.constant 0 : index
    %swap3A_6 = vector.load %arg2[%swap3A, %swap3A_5] : memref<7816x128xf32, #tpu.memory_space<vmem>>, vector<7816x128xf32>
    tpu.vector_store %arg2[%swap3A, %swap3A_5], %add3A {strides = array<i32>} : memref<7816x128xf32, #tpu.memory_space<vmem>>, vector<7816x128xf32>,
    return
  }
}

</mosaic_0001>

<sc_bundles>
// kernel: kernel.4.cloned.1.call-start
scs
__scs_entry_jumppad:
0x0: {  	(pc) =	sbr.rel $0x88, $3  }
0x1: {  	(tag) =	ssettag $0x0;
	lr =	simm.s32 $0x1  }
0x2: {  	[smem:$0x3F9E] =	sst lr;
	_ =	strace $0xD0000000  }
0x3: {  	_ = 	snop  }
0x4: {  	_ = 	snop  }
0x5: {  	_ = 	snop  }
0x6: {  	_ = 	snop  }
0x7: {  	_ = 	snop  }
__scs_overlays_trampoline_lowered:
0x8: {  	[smem:$0x3FAD] =	sst s0  }
0x9: {  	[smem:$0x3FAE] =	sst s1  }
0xa: {  	[smem:$0x3FAF] =	sst s2  }
0xb: {  	[smem:$0x3FB0] =	sst s3  }
0xc: {  	[smem:$0x3FB1] =	sst s4  }
0xd: {  	[smem:$0x3FB2] =	sst s5  }
0xe: {  	[smem:$0x3FB3] =	sst s6  }
0xf: {  	[smem:$0x3FB4] =	sst s7  }
0x10: {  	[smem:$0x3FB5] =	sst s8  }
0x11: {  	[smem:$0x3FB6] =	sst s9;
	s0 =	simm.s32 @!p0 $0x0  }
0x12: {  	s1 =	sld [smem:$0x3F9C];
	s0 =	simm.s32 @p0 $0x1  }
0x13: {  	[smem:$0x3FB7] =	sst s0;
	s0 =	simm.s32 @!p1 $0x0  }
0x14: {  	s2 =	sld [smem:$0x3F9B];
	s0 =	simm.s32 @p1 $0x1  }
0x15: {  	[smem:$0x3FB8] =	sst s0;
	s0 =	simm.s32 @!p2 $0x0  }
0x16: {  	s3 =	sld [smem:$0x3FDB];
	s0 =	simm.s32 @p2 $0x1  }
0x17: {  	s4 =	simm.s32 $0x1BF5;
	[smem:$0x3FBA] =	sst s0  }
0x18: {  	s0 =	sld [smem:$0x3F9D];
	_ =	swait.ge [sflag:s4], $0x0  }
0x19: {  	s7 =	sld [smem:$0x3F9E]  }
0x1a: {  	s8 =	sadd.s32 $0xFFFFE003, lr  }
0x1b: {  	s9 =	sadd.s32 $0xFFFFFEF7, lr;
	s5 =	simm.s32 $0xFFFFFFFF;
	p2 =	slt.u32 s8, $0xFFFFF086  }
0x1c: {  	p1 =	slt.u32 s9, $0xF7A;
	s5 =	simm.s32 @!p2 $0x0  }
0x1d: {  	s5 =	simm.s32 @p1 $0x1;
	p0 =	seq.s32 s7, s2  }
0x1e: {  	s7 =	smul.u32 @!p0 $0xF7A, s2;
	p2 =	seq.s32 @!p0 s5, $0x0  }
0x1f: {  	s9 =	smul.u32 $0xF7A, s1;
	s8 =	simm.s32 @!p0 $0x1BF5;
	p2 =	por !p2, p0  }
0x20: {  	[sflag:s8] =	ssyncset.s32 @!p0 $0xFFFFF086;
	s6 =	sadd.s32 @!p0 s3, s7;
	s7 =	simm.s32 @!p0 $0x108  }
0x21: {  	s3 =	sadd.s32 s3, s9;
	s6 =	sadd.s32 @!p0 $0x88, s6;
	s7 =	simm.s32 @p2 $0x1082  }
0x22: {  	[simem:s7], [sflag:s8] =	dma.local @!p0 [hbm:s6], $0xF7A  }
0x23: {  	s9 =	sor.u32 $0xD0000000, s2;
	s6 =	simm.s32 $0x108;
	_ =	swait.ge @!p0 [sflag:s8], $0x0  }
0x24: {  	s3 =	sadd.s32 $0x88, s3;
	s6 =	simm.s32 @!p1 $0x1082;
	[sflag:s4] =	ssyncset.s32 $0xFFFFF086  }
0x25: {  	[simem:s6], [sflag:s4] =	dma.local [hbm:s3], $0xF7A  }
0x26: {  	[smem:$0x3F9E] =	sst s1;
	(tag) =	ssettag s2;
	_ =	strace s9  }
0x27: {  	s1 =	sld [smem:$0x3FAE]  }
0x28: {  	s2 =	sld [smem:$0x3FAF]  }
0x29: {  	s4 =	sld [smem:$0x3FB1]  }
0x2a: {  	p0 =	seq.s32 s5, $0x0;
	s5 =	sld [smem:$0x3FB2]  }
0x2b: {  	s6 =	sld [smem:$0x3FB3]  }
0x2c: {  	s7 =	sld [smem:$0x3FB4]  }
0x2d: {  	s3 =	simm.s32 $0x108;
	s8 =	sld [smem:$0x3FB5]  }
0x2e: {  	s3 =	simm.s32 @!p0 $0x1082;
	s9 =	sld [smem:$0x3FB6]  }
0x2f: {  	lr =	sadd.s32 s0, s3;
	s0 =	sld [smem:$0x3FAD]  }
0x30: {  	s3 =	sld [smem:$0x3FB0]  }
0x31: {  	[smem:$0x3FB9] =	sst s10  }
0x32: {  	s10 =	sld [smem:$0x3FB7];
	_ =	sdelay $0x3  }
0x33: {  	p0 =	seq.s32 s10, $0x1;
	s10 =	sld [smem:$0x3FB9];
	_ =	sdelay $0x3  }
0x34: {  	[smem:$0x3FB9] =	sst s10  }
0x35: {  	s10 =	sld [smem:$0x3FB8];
	_ =	sdelay $0x3  }
0x36: {  	p1 =	seq.s32 s10, $0x1;
	s10 =	sld [smem:$0x3FB9];
	_ =	sdelay $0x3  }
0x37: {  	[smem:$0x3FB9] =	sst s10  }
0x38: {  	s10 =	sld [smem:$0x3FBA]  }
0x39: {  	_ = 	snop;
	(pc) =	sbr.ind lr, $3  }
0x3a: {  	_ = 	snop  }
0x3b: {  	_ = 	snop  }
0x3c: {  	p2 =	seq.s32 s10, $0x1;
	s10 =	sld [smem:$0x3FB9]  }
0x3d: {  	_ =	shalt  }
0x3e: {  	_ =	shalt  }
0x3f: {  	_ =	shalt  }
0x40: {  	_ =	shalt  }
0x41: {  	_ =	shalt  }
0x42: {  	_ =	shalt  }
0x43: {  	_ =	shalt  }
0x44: {  	_ =	shalt  }
0x45: {  	_ =	shalt  }
0x46: {  	_ =	shalt  }
0x47: {  	_ =	shalt  }
0x48: {  	_ =	shalt  }
0x49: {  	_ =	shalt  }
0x4a: {  	_ =	shalt  }
0x4b: {  	_ =	shalt  }
0x4c: {  	_ =	shalt  }
0x4d: {  	_ =	shalt  }
0x4e: {  	_ =	shalt  }
0x4f: {  	_ =	shalt  }
0x50: {  	_ =	shalt  }
0x51: {  	_ =	shalt  }
0x52: {  	_ =	shalt  }
0x53: {  	_ =	shalt  }
0x54: {  	_ =	shalt  }
0x55: {  	_ =	shalt  }
0x56: {  	_ =	shalt  }
0x57: {  	_ =	shalt  }
0x58: {  	_ =	shalt  }
0x59: {  	_ =	shalt  }
0x5a: {  	_ =	shalt  }
0x5b: {  	_ =	shalt  }
0x5c: {  	_ =	shalt  }
0x5d: {  	_ =	shalt  }
0x5e: {  	_ =	shalt  }
0x5f: {  	_ =	shalt  }
0x60: {  	_ =	shalt  }
0x61: {  	_ =	shalt  }
0x62: {  	_ =	shalt  }
0x63: {  	_ =	shalt  }
0x64: {  	_ =	shalt  }
0x65: {  	_ =	shalt  }
0x66: {  	_ =	shalt  }
0x67: {  	_ =	shalt  }
0x68: {  	_ =	shalt  }
0x69: {  	_ =	shalt  }
0x6a: {  	_ =	shalt  }
0x6b: {  	_ =	shalt  }
0x6c: {  	_ =	shalt  }
0x6d: {  	_ =	shalt  }
0x6e: {  	_ =	shalt  }
0x6f: {  	_ =	shalt  }
0x70: {  	_ =	shalt  }
0x71: {  	_ =	shalt  }
0x72: {  	_ =	shalt  }
0x73: {  	_ =	shalt  }
0x74: {  	_ =	shalt  }
0x75: {  	_ =	shalt  }
0x76: {  	_ =	shalt  }
0x77: {  	_ =	shalt  }
0x78: {  	_ =	shalt  }
0x79: {  	_ =	shalt  }
0x7a: {  	_ =	shalt  }
0x7b: {  	_ =	shalt  }
0x7c: {  	_ =	shalt  }
0x7d: {  	_ =	shalt  }
0x7e: {  	_ =	shalt  }
0x7f: {  	_ =	shalt  }
0x80: {  	_ =	shalt  }
0x81: {  	_ =	shalt  }
0x82: {  	_ =	shalt  }
0x83: {  	_ =	shalt  }
0x84: {  	_ =	shalt  }
0x85: {  	_ =	shalt  }
0x86: {  	_ =	shalt  }
0x87: {  	_ =	shalt  }
.Lfunc_end0:
.L_simem_size_0:
called_computation_lowered:
.L_overlay_start_0:
0x88: {  	s2 =	sld [smem:$0x3FD9]  }
0x89: {  	s3 =	sld [smem:$0x3FFE];
	_ =	sdelay $0x1  }
0x8a: {  	s1 =	srdreg.scid  }
0x8b: {  	s0 =	sand.u32 $0x1, s1  }
0x8c: {  	s17 =	sshll.u32 s0, $0xA;
	s2 =	sadd.s32 s3, s2  }
0x8d: {  	s2 =	sadd.s32 s2, s17  }
0x8e: {  	[smem:$0x3FC5] =	sst s2  }
0x8f: {  	_ = 	snop  }
0x90: {  	s2 =	sld [smem:$0x3FC8]  }
0x91: {  	s18 =	sld [smem:$0x3FC7]  }
0x92: {  	s4 =	sld [smem:$0x3FD0];
	(tm) =	ssettm $0x1  }
0x93: {  	s5 =	sld [smem:$0x3FFB];
	_ =	sdelay $0x3  }
0x94: {  	_ =	strace s5  }
0x95: {  	s5 =	sld [smem:$0x3FFC];
	_ =	sdelay $0x3  }
0x96: {  	_ =	strace s5  }
0x97: {  	s5 =	sld [smem:$0x3FFD];
	_ =	sdelay $0x3  }
0x98: {  	_ =	strace s5  }
0x99: {  	_ =	strace $0x8FFFFFFF  }
0x9a: {  	s19 =	sld [smem:$0x3FDB];
	_ =	sdelay $0x1  }
0x9b: {  	s6 =	simm.s32 $_scs_section_size  }
0x9c: {  	s7 =	simm.s32 $_size__tile_overlayer_lowered;
	s8 =	simm.s32 $_tile_overlayer_lowered  }
0x9d: {  	s22 =	simm.s32 $0x1BFF;
	s21 =	sshll.u32 s8, $0x1;
	s5 =	sadd.s32 s6, s19  }
0x9e: {  	s9 =	simm.s32 $0x0;
	s20 =	sshll.u32 s7, $0x1;
	s7 =	sadd.s32 s21, s5  }
0x9f: {  	[timem:s9], [sflag:s22] =	dma.local [hbm:s7], s20  }
0xa0: {  	_ =	swait.ge [sflag:s22], s20  }
0xa1: {  	s6 =	ssub.s32 $0x0, s20;
	[sflag:s22] =	ssyncset.done $0x0  }
0xa2: {  	[sflag:s22] =	ssyncadd.s32 s6;
	_ =	sdelay $0x1  }
0xa3: {  	s23 =	simm.s32 $0x1B8B  }
0xa4: {  	_ =	swait.ge [sflag:s23], $0x1  }
0xa5: {  	[sflag:s23] =	ssyncset.done $0x0  }
0xa6: {  	s25 =	simm.s32 $0x1B8E;
	s24 =	sld [smem:$0x3FFE];
	[sflag:s23] =	ssyncadd.s32 $0xFFFFFFFF  }
0xa7: {  	s26 =	simm.s32 $execute0_lowered;
	[smem:$0x3FD2] =	sst s25  }
0xa8: {  	s7 =	sshll.u32 s26, $0x1;
	_ =	strace $0x80000046;
	[dreg:$0x1] =	wrdreg $0xFFFFFFFF  }
0xa9: {  	s28 =	simm.s32 $_size_execute0_lowered;
	s5 =	sadd.s32 s5, s7;
	[dreg:$0x0] =	wrdreg $0x0  }
0xaa: {  	s7 =	sshll.u32 s28, $0x1;
	[dreg:$0x2] =	wrdreg s5  }
0xab: {  	[dreg:$0x3] =	wrdreg s7  }
0xac: {  	[dreg:$0x4] =	wrdreg $0xC0  }
0xad: {  	_ =	task [dreg:s9], $0x5FFFF  }
0xae: {  	[dreg:$0x1] =	wrdreg $0xFFFFFFFF  }
0xaf: {  	[dreg:$0x0] =	wrdreg $0x60  }
0xb0: {  	[dreg:$0x2] =	wrdreg s4  }
0xb1: {  	[dreg:$0x3] =	wrdreg s24  }
0xb2: {  	[dreg:$0x4] =	wrdreg s2  }
0xb3: {  	[dreg:$0x5] =	wrdreg s18  }
0xb4: {  	[dreg:$0x6] =	wrdreg $0x104800  }
0xb5: {  	[dreg:$0x7] =	wrdreg $0x9  }
0xb6: {  	_ =	task.clear_ibuf [dreg:s9], $0x8FFFF;
	_ =	strace $0x90000046  }
0xb7: {  	s29 =	simm.s32 $0x9;
	_ =	strace $0x80000048  }
0xb8: {  	_ =	swait.ge [sflag:s29], $0x1  }
0xb9: {  	[sflag:s29] =	ssyncadd.s32 $0xFFFFFFFF  }
0xba: {  	_ =	strace $0x90000048  }
0xbb: {  	_ =	sfence  }
0xbc: {  	s30 =	sld [smem:$0x0];
	_ =	sdelay $0x2  }
0xbd: {  	s31 =	sshll.u32 s1, $0xD;
	s1 =	sshrl.u32 s1, $0x2  }
0xbe: {  	s3 =	sand.u32 $0x4000, s31;
	s1 =	sadd.s32 s1, s30  }
0xbf: {  	s0 =	sor.u32 s3, s0;
	s1 =	sshll.u32 s1, $0x11  }
0xc0: {  	s0 =	sor.u32 s1, s0  }
0xc1: {  	s0 =	sadd.s32 $0x8F2B, s0  }
0xc2: {  	[sflag:s0] =	ssyncadd.remote.s32 $0x1  }
0xc3: {  	_ =	sfence.sel $0xFFFF  }
0xc4: {  	[dreg:$0x0] =	wrdreg $0xFFFFFFFF;
	(pc) =	sbr.abs _section_cstart, $3  }
0xc5: {  	[dreg:$0x1] =	wrdreg $0xFFFFFFFF  }
0xc6: {  	_ =	task.clear_ibuf [dreg:s9], $0x2FFFF;
	_ =	strace $0x9FFFFFFF  }
0xc7: {  	(tm) =	ssettm $0x7FFFFFFF  }
tec
execute0_lowered:
.L_overlay_start_1:
0x0: {  	(tag) =	ssettag $0x1  }
0x1: {  	s0 =	rddreg [dreg:$0x0]  }
0x2: {  	s3 =	rddreg [dreg:$0x1]  }
0x3: {  	s5 =	rddreg [dreg:$0x2]  }
0x4: {  	s6 =	rddreg [dreg:$0x3]  }
0x5: {  	s1 =	rddreg [dreg:$0x4];
	s2 =	simm.s32 $0x0;
	s4 =	srdreg.scid  }
0x6: {  	s13 =	stileid.u32;
	s20 =	simm.s32 $0x880;
	s21 =	simm.s32 $0x100  }
0x7: {  	s22 =	simm.s32 $0x900;
	s23 =	simm.s32 $0x180;
	s24 =	simm.s32 $0x980  }
0x8: {  	s25 =	simm.s32 $0x200;
	s26 =	simm.s32 $0xA00;
	s14 =	simm.s32 $0x300  }
0x9: {  	s15 =	simm.s32 $0xB00;
	s28 =	simm.s32 $0xE00;
	[smem:$0x7FF] =	sst s2  }
0xa: {  	s29 =	simm.s32 $0x680;
	_ =	strace $0x80000047;
	[dreg:$0x8] =	wrdreg s20  }
0xb: {  	s30 =	simm.s32 $0xE80;
	s31 =	simm.s32 $0x700;
	[dreg:$0x9] =	wrdreg s21  }
0xc: {  	s4 =	sand.u32 $0x1, s4;
	s8 =	sadd.s32 $0xC00, s3;
	[dreg:$0xa] =	wrdreg s22  }
0xd: {  	s10 =	smul.u32 $0xF440, s13;
	s11 =	sadd.s32 $0x1F600, s3;
	[dreg:$0xb] =	wrdreg s23  }
0xe: {  	s3 =	sadd.s32 $0x3E000, s3;
	s17 =	sshll.u32 s13, $0xE;
	[dreg:$0xc] =	wrdreg s24  }
0xf: {  	s13 =	simm.s32 $0xA80;
	s7 =	ssub.s32 $0x2, s4;
	[dreg:$0xd] =	wrdreg s25  }
0x10: {  	p0 =	seq.s32 s4, $0x0;
	s12 =	sshll.u32 s4, $0x12;
	[dreg:$0xe] =	wrdreg s26  }
0x11: {  	s20 =	simm.s32 $0x480;
	s21 =	simm.s32 $0xC80;
	s22 =	simm.s32 $0x500  }
0x12: {  	s23 =	simm.s32 $0xD00;
	s24 =	simm.s32 $0x580;
	s25 =	simm.s32 $0xD80  }
0x13: {  	s26 =	simm.s32 $0x600;
	s9 =	sshrl.u32 s7, $0x1;
	s16 =	sshrl.u32 s10, $0x3  }
0x14: {  	s4 =	sadd.s32 s10, s1;
	s6 =	sadd.s32 s12, s6;
	s5 =	sadd.s32 s12, s5  }
0x15: {  	s8 =	smov.u32 @p0 s0;
	s3 =	smov.u32 @p0 s11;
	s10 =	simm.s32 $0x800  }
0x16: {  	s11 =	simm.s32 $0x80;
	s12 =	simm.s32 $0x280;
	s0 =	simm.s32 $0xF00  }
0x17: {  	s7 =	ssub.s32 s7, s9;
	s6 =	sadd.s32 s17, s6;
	s18 =	sadd.s32 s17, s5  }
0x18: {  	s19 =	sadd.s32 s8, s16;
	s3 =	sadd.s32 s3, s16;
	[dreg:$0xf] =	wrdreg s4  }
0x19: {  	s8 =	simm.s32 $0x1000;
	s9 =	simm.s32 $0x1;
	[dreg:$0x6] =	wrdreg s6  }
0x1a: {  	s16 =	simm.s32 $0x380;
	s17 =	simm.s32 $0xB80;
	[dreg:$0x11] =	wrdreg s19  }
0x1b: {  	s5 =	simm.s32 $0xF80;
	s7 =	smax.u32 s7, $0x1;
	[dreg:$0x7] =	wrdreg s18  }
0x1c: {  	[dreg:$0x12] =	wrdreg s3;
	s18 =	simm.s32 $0x400;
	s19 =	simm.s32 $0xC00  }
0x1d: {  	s3 =	simm.s32 $0x780;
	s6 =	simm.s32 $0x0;
	[dreg:$0x10] =	wrdreg s7  }
.LBB2_1:
0x1e: {  	s7 =	rddreg [dreg:$0x11]  }
0x1f: {  	[tilespmem:s8], [sflag:$0x1] =	stream.linear.gather [hbm4b:s7+s2], $0xF440, $0x38;
	[tilespmem:$0x1F8C0] =	vst v63  }
0x20: {  	_ =	swait.ge [sflag:s9], $0xF440  }
0x21: {  	[sflag:s9] =	ssyncset.done $0x0  }
0x22: {  	[sflag:s9] =	ssyncadd.s32 $0xFFFF0BC0  }
0x23: {  	[spmem:s4] =	stream.linear.scatter [tilespmem:s8], [sflag:$0x1], $0xF440, $0x38;
	[tilespmem:$0x1F8C0] =	vst v63  }
0x24: {  	_ =	swait.ge [sflag:s9], $0xF440  }
0x25: {  	[sflag:s9] =	ssyncset.done $0x0  }
0x26: {  	[sflag:s9] =	ssyncadd.s32 $0xFFFF0BC0  }
0x27: {  	[bflag:$0x0] =	sbarrier.arrive $0xFFFF  }
0x28: {  	s8 =	rddreg [dreg:$0x7]  }
0x29: {  	s7 =	sadd.s32 $0x0, s8  }
0x2a: {  	[tilespmem:s2], [sflag:$0x1] =	stream.linear.gather [hbm4b:s7+s2], $0x800, $0x38;
	[tilespmem:$0x1F8C0] =	vst v63  }
0x2b: {  	_ =	swait.ge [sflag:s9], $0x800  }
0x2c: {  	s4 =	rddreg [dreg:$0x6];
	[sflag:s9] =	ssyncset.done $0x0  }
0x2d: {  	[sflag:s9] =	ssyncadd.s32 $0xFFFFF800;
	s7 =	sadd.s32 $0x0, s4  }
0x2e: {  	[tilespmem:s10], [sflag:$0x1] =	stream.linear.gather [hbm4b:s7+s2], $0x800, $0x38;
	[tilespmem:$0x1F8C0] =	vst v63  }
0x2f: {  	_ =	swait.ge [sflag:s9], $0x800  }
0x30: {  	[sflag:s9] =	ssyncset.done $0x0  }
0x31: {  	[sflag:s9] =	ssyncadd.s32 $0xFFFFF800  }
0x32: {  	[spmem:s1] =	stream.indirect.scatter.add.f32 [tilespmem:s10], [sflag:$0x1], $0x1, s2, s11, $0xb8;
	[tilespmem:$0x1F8C0] =	vst v63  }
0x33: {  	_ =	swait.ge [sflag:s9], $0x80  }
0x34: {  	[sflag:s9] =	ssyncset.done $0x0  }
0x35: {  	s8 =	rddreg [dreg:$0x8];
	[sflag:s9] =	ssyncadd.s32 $0xFFFFFF80  }
0x36: {  	[spmem:s1] =	stream.indirect.scatter.add.f32 [tilespmem:s8], [sflag:$0x1], $0x1, s11, s11, $0xb8;
	[tilespmem:$0x1F8C0] =	vst v63  }
0x37: {  	_ =	swait.ge [sflag:s9], $0x80  }
0x38: {  	s4 =	rddreg [dreg:$0x9];
	[sflag:s9] =	ssyncset.done $0x0  }
0x39: {  	s8 =	rddreg [dreg:$0xa];
	[sflag:s9] =	ssyncadd.s32 $0xFFFFFF80  }
0x3a: {  	[spmem:s1] =	stream.indirect.scatter.add.f32 [tilespmem:s8], [sflag:$0x1], $0x1, s4, s11, $0xb8;
	[tilespmem:$0x1F8C0] =	vst v63  }
0x3b: {  	_ =	swait.ge [sflag:s9], $0x80  }
0x3c: {  	s7 =	rddreg [dreg:$0xb];
	[sflag:s9] =	ssyncset.done $0x0  }
0x3d: {  	s8 =	rddreg [dreg:$0xc];
	[sflag:s9] =	ssyncadd.s32 $0xFFFFFF80  }
0x3e: {  	[spmem:s1] =	stream.indirect.scatter.add.f32 [tilespmem:s8], [sflag:$0x1], $0x1, s7, s11, $0xb8;
	[tilespmem:$0x1F8C0] =	vst v63  }
0x3f: {  	_ =	swait.ge [sflag:s9], $0x80  }
0x40: {  	s7 =	rddreg [dreg:$0xd];
	[sflag:s9] =	ssyncset.done $0x0  }
0x41: {  	s8 =	rddreg [dreg:$0xe];
	[sflag:s9] =	ssyncadd.s32 $0xFFFFFF80  }
0x42: {  	[spmem:s1] =	stream.indirect.scatter.add.f32 [tilespmem:s8], [sflag:$0x1], $0x1, s7, s11, $0xb8;
	[tilespmem:$0x1F8C0] =	vst v63  }
0x43: {  	_ =	swait.ge [sflag:s9], $0x80  }
0x44: {  	[sflag:s9] =	ssyncset.done $0x0  }
0x45: {  	[sflag:s9] =	ssyncadd.s32 $0xFFFFFF80  }
0x46: {  	[spmem:s1] =	stream.indirect.scatter.add.f32 [tilespmem:s13], [sflag:$0x1], $0x1, s12, s11, $0xb8;
	[tilespmem:$0x1F8C0] =	vst v63  }
0x47: {  	_ =	swait.ge [sflag:s9], $0x80  }
0x48: {  	[sflag:s9] =	ssyncset.done $0x0  }
0x49: {  	[sflag:s9] =	ssyncadd.s32 $0xFFFFFF80  }
0x4a: {  	[spmem:s1] =	stream.indirect.scatter.add.f32 [tilespmem:s15], [sflag:$0x1], $0x1, s14, s11, $0xb8;
	[tilespmem:$0x1F8C0] =	vst v63  }
0x4b: {  	_ =	swait.ge [sflag:s9], $0x80  }
0x4c: {  	[sflag:s9] =	ssyncset.done $0x0  }
0x4d: {  	[sflag:s9] =	ssyncadd.s32 $0xFFFFFF80  }
0x4e: {  	[spmem:s1] =	stream.indirect.scatter.add.f32 [tilespmem:s17], [sflag:$0x1], $0x1, s16, s11, $0xb8;
	[tilespmem:$0x1F8C0] =	vst v63  }
0x4f: {  	_ =	swait.ge [sflag:s9], $0x80  }
0x50: {  	[sflag:s9] =	ssyncset.done $0x0  }
0x51: {  	[sflag:s9] =	ssyncadd.s32 $0xFFFFFF80  }
0x52: {  	[spmem:s1] =	stream.indirect.scatter.add.f32 [tilespmem:s19], [sflag:$0x1], $0x1, s18, s11, $0xb8;
	[tilespmem:$0x1F8C0] =	vst v63  }
0x53: {  	_ =	swait.ge [sflag:s9], $0x80  }
0x54: {  	[sflag:s9] =	ssyncset.done $0x0  }
0x55: {  	[sflag:s9] =	ssyncadd.s32 $0xFFFFFF80  }
0x56: {  	[spmem:s1] =	stream.indirect.scatter.add.f32 [tilespmem:s21], [sflag:$0x1], $0x1, s20, s11, $0xb8;
	[tilespmem:$0x1F8C0] =	vst v63  }
0x57: {  	_ =	swait.ge [sflag:s9], $0x80  }
0x58: {  	[sflag:s9] =	ssyncset.done $0x0  }
0x59: {  	[sflag:s9] =	ssyncadd.s32 $0xFFFFFF80  }
0x5a: {  	[spmem:s1] =	stream.indirect.scatter.add.f32 [tilespmem:s23], [sflag:$0x1], $0x1, s22, s11, $0xb8;
	[tilespmem:$0x1F8C0] =	vst v63  }
0x5b: {  	_ =	swait.ge [sflag:s9], $0x80  }
0x5c: {  	[sflag:s9] =	ssyncset.done $0x0  }
0x5d: {  	[sflag:s9] =	ssyncadd.s32 $0xFFFFFF80  }
0x5e: {  	[spmem:s1] =	stream.indirect.scatter.add.f32 [tilespmem:s25], [sflag:$0x1], $0x1, s24, s11, $0xb8;
	[tilespmem:$0x1F8C0] =	vst v63  }
0x5f: {  	_ =	swait.ge [sflag:s9], $0x80  }
0x60: {  	[sflag:s9] =	ssyncset.done $0x0  }
0x61: {  	[sflag:s9] =	ssyncadd.s32 $0xFFFFFF80  }
0x62: {  	[spmem:s1] =	stream.indirect.scatter.add.f32 [tilespmem:s28], [sflag:$0x1], $0x1, s26, s11, $0xb8;
	[tilespmem:$0x1F8C0] =	vst v63  }
0x63: {  	_ =	swait.ge [sflag:s9], $0x80  }
0x64: {  	[sflag:s9] =	ssyncset.done $0x0  }
0x65: {  	[sflag:s9] =	ssyncadd.s32 $0xFFFFFF80  }
0x66: {  	[spmem:s1] =	stream.indirect.scatter.add.f32 [tilespmem:s30], [sflag:$0x1], $0x1, s29, s11, $0xb8;
	[tilespmem:$0x1F8C0] =	vst v63  }
0x67: {  	_ =	swait.ge [sflag:s9], $0x80  }
0x68: {  	[sflag:s9] =	ssyncset.done $0x0  }
0x69: {  	[sflag:s9] =	ssyncadd.s32 $0xFFFFFF80  }
0x6a: {  	[spmem:s1] =	stream.indirect.scatter.add.f32 [tilespmem:s0], [sflag:$0x1], $0x1, s31, s11, $0xb8;
	[tilespmem:$0x1F8C0] =	vst v63  }
0x6b: {  	_ =	swait.ge [sflag:s9], $0x80  }
0x6c: {  	[sflag:s9] =	ssyncset.done $0x0  }
0x6d: {  	s7 =	simm.s32 $0x100;
	[sflag:s9] =	ssyncadd.s32 $0xFFFFFF80  }
.LBB2_2:
0x6e: {  	[spmem:s1] =	stream.indirect.scatter.add.f32 [tilespmem:s5], [sflag:$0x1], $0x1, s3, s11, $0xb8;
	[tilespmem:$0x1F8C0] =	vst v63  }
0x6f: {  	_ =	swait.ge [sflag:s9], $0x80  }
0x70: {  	s4 =	smov.u32 s7;
	s8 =	rddreg [dreg:$0x7];
	[sflag:s9] =	ssyncset.done $0x0  }
0x71: {  	[sflag:s9] =	ssyncadd.s32 $0xFFFFFF80;
	s8 =	sadd.s32 s4, s8  }
0x72: {  	[tilespmem:s2], [sflag:$0x1] =	stream.linear.gather [hbm4b:s8+s2], $0x800, $0x38;
	[tilespmem:$0x1F8C0] =	vst v63  }
0x73: {  	_ =	swait.ge [sflag:s9], $0x800  }
0x74: {  	s8 =	rddreg [dreg:$0x6];
	[sflag:s9] =	ssyncset.done $0x0  }
0x75: {  	[sflag:s9] =	ssyncadd.s32 $0xFFFFF800;
	s4 =	sadd.s32 s4, s8  }
0x76: {  	[tilespmem:s10], [sflag:$0x1] =	stream.linear.gather [hbm4b:s4+s2], $0x800, $0x38;
	[tilespmem:$0x1F8C0] =	vst v63  }
0x77: {  	_ =	swait.ge [sflag:s9], $0x800  }
0x78: {  	[sflag:s9] =	ssyncset.done $0x0  }
0x79: {  	[sflag:s9] =	ssyncadd.s32 $0xFFFFF800  }
0x7a: {  	[spmem:s1] =	stream.indirect.scatter.add.f32 [tilespmem:s10], [sflag:$0x1], $0x1, s2, s11, $0xb8;
	[tilespmem:$0x1F8C0] =	vst v63  }
0x7b: {  	_ =	swait.ge [sflag:s9], $0x80  }
0x7c: {  	[sflag:s9] =	ssyncset.done $0x0  }
0x7d: {  	s8 =	rddreg [dreg:$0x8];
	[sflag:s9] =	ssyncadd.s32 $0xFFFFFF80  }
0x7e: {  	[spmem:s1] =	stream.indirect.scatter.add.f32 [tilespmem:s8], [sflag:$0x1], $0x1, s11, s11, $0xb8;
	[tilespmem:$0x1F8C0] =	vst v63  }
0x7f: {  	_ =	swait.ge [sflag:s9], $0x80  }
0x80: {  	s4 =	rddreg [dreg:$0x9];
	[sflag:s9] =	ssyncset.done $0x0  }
0x81: {  	s8 =	rddreg [dreg:$0xa];
	[sflag:s9] =	ssyncadd.s32 $0xFFFFFF80  }
0x82: {  	[spmem:s1] =	stream.indirect.scatter.add.f32 [tilespmem:s8], [sflag:$0x1], $0x1, s4, s11, $0xb8;
	[tilespmem:$0x1F8C0] =	vst v63  }
0x83: {  	_ =	swait.ge [sflag:s9], $0x80  }
0x84: {  	[sflag:s9] =	ssyncset.done $0x0;
	s4 =	rddreg [dreg:$0xb]  }
0x85: {  	s8 =	rddreg [dreg:$0xc];
	[sflag:s9] =	ssyncadd.s32 $0xFFFFFF80  }
0x86: {  	[spmem:s1] =	stream.indirect.scatter.add.f32 [tilespmem:s8], [sflag:$0x1], $0x1, s4, s11, $0xb8;
	[tilespmem:$0x1F8C0] =	vst v63  }
0x87: {  	_ =	swait.ge [sflag:s9], $0x80  }
0x88: {  	[sflag:s9] =	ssyncset.done $0x0;
	s4 =	rddreg [dreg:$0xd]  }
0x89: {  	s8 =	rddreg [dreg:$0xe];
	[sflag:s9] =	ssyncadd.s32 $0xFFFFFF80  }
0x8a: {  	[spmem:s1] =	stream.indirect.scatter.add.f32 [tilespmem:s8], [sflag:$0x1], $0x1, s4, s11, $0xb8;
	[tilespmem:$0x1F8C0] =	vst v63  }
0x8b: {  	_ =	swait.ge [sflag:s9], $0x80  }
0x8c: {  	[sflag:s9] =	ssyncset.done $0x0  }
0x8d: {  	[sflag:s9] =	ssyncadd.s32 $0xFFFFFF80  }
0x8e: {  	[spmem:s1] =	stream.indirect.scatter.add.f32 [tilespmem:s13], [sflag:$0x1], $0x1, s12, s11, $0xb8;
	[tilespmem:$0x1F8C0] =	vst v63  }
0x8f: {  	_ =	swait.ge [sflag:s9], $0x80  }
0x90: {  	[sflag:s9] =	ssyncset.done $0x0  }
0x91: {  	[sflag:s9] =	ssyncadd.s32 $0xFFFFFF80  }
0x92: {  	[spmem:s1] =	stream.indirect.scatter.add.f32 [tilespmem:s15], [sflag:$0x1], $0x1, s14, s11, $0xb8;
	[tilespmem:$0x1F8C0] =	vst v63  }
0x93: {  	_ =	swait.ge [sflag:s9], $0x80  }
0x94: {  	[sflag:s9] =	ssyncset.done $0x0  }
0x95: {  	[sflag:s9] =	ssyncadd.s32 $0xFFFFFF80  }
0x96: {  	[spmem:s1] =	stream.indirect.scatter.add.f32 [tilespmem:s17], [sflag:$0x1], $0x1, s16, s11, $0xb8;
	[tilespmem:$0x1F8C0] =	vst v63  }
0x97: {  	_ =	swait.ge [sflag:s9], $0x80  }
0x98: {  	[sflag:s9] =	ssyncset.done $0x0  }
0x99: {  	[sflag:s9] =	ssyncadd.s32 $0xFFFFFF80  }
0x9a: {  	[spmem:s1] =	stream.indirect.scatter.add.f32 [tilespmem:s19], [sflag:$0x1], $0x1, s18, s11, $0xb8;
	[tilespmem:$0x1F8C0] =	vst v63  }
0x9b: {  	_ =	swait.ge [sflag:s9], $0x80  }
0x9c: {  	[sflag:s9] =	ssyncset.done $0x0  }
0x9d: {  	[sflag:s9] =	ssyncadd.s32 $0xFFFFFF80  }
0x9e: {  	[spmem:s1] =	stream.indirect.scatter.add.f32 [tilespmem:s21], [sflag:$0x1], $0x1, s20, s11, $0xb8;
	[tilespmem:$0x1F8C0] =	vst v63  }
0x9f: {  	_ =	swait.ge [sflag:s9], $0x80  }
0xa0: {  	[sflag:s9] =	ssyncset.done $0x0  }
0xa1: {  	[sflag:s9] =	ssyncadd.s32 $0xFFFFFF80  }
0xa2: {  	[spmem:s1] =	stream.indirect.scatter.add.f32 [tilespmem:s23], [sflag:$0x1], $0x1, s22, s11, $0xb8;
	[tilespmem:$0x1F8C0] =	vst v63  }
0xa3: {  	_ =	swait.ge [sflag:s9], $0x80  }
0xa4: {  	[sflag:s9] =	ssyncset.done $0x0  }
0xa5: {  	[sflag:s9] =	ssyncadd.s32 $0xFFFFFF80  }
0xa6: {  	[spmem:s1] =	stream.indirect.scatter.add.f32 [tilespmem:s25], [sflag:$0x1], $0x1, s24, s11, $0xb8;
	[tilespmem:$0x1F8C0] =	vst v63  }
0xa7: {  	_ =	swait.ge [sflag:s9], $0x80  }
0xa8: {  	[sflag:s9] =	ssyncset.done $0x0  }
0xa9: {  	[sflag:s9] =	ssyncadd.s32 $0xFFFFFF80  }
0xaa: {  	[spmem:s1] =	stream.indirect.scatter.add.f32 [tilespmem:s28], [sflag:$0x1], $0x1, s26, s11, $0xb8;
	[tilespmem:$0x1F8C0] =	vst v63  }
0xab: {  	_ =	swait.ge [sflag:s9], $0x80  }
0xac: {  	[sflag:s9] =	ssyncset.done $0x0  }
0xad: {  	[sflag:s9] =	ssyncadd.s32 $0xFFFFFF80  }
0xae: {  	[spmem:s1] =	stream.indirect.scatter.add.f32 [tilespmem:s30], [sflag:$0x1], $0x1, s29, s11, $0xb8;
	[tilespmem:$0x1F8C0] =	vst v63  }
0xaf: {  	_ =	swait.ge [sflag:s9], $0x80  }
0xb0: {  	p0 =	sne.s32 s7, $0x3F00;
	[sflag:s9] =	ssyncset.done $0x0  }
.Ltmp0:
0xb1: {  	[sflag:s9] =	ssyncadd.s32 $0xFFFFFF80;
	(pc) =	sbr.rel @p0 .LBB2_2-.Ltmp0, $4  }
0xb2: {  	[spmem:s1] =	stream.indirect.scatter.add.f32 [tilespmem:s0], [sflag:$0x1], $0x1, s31, s11, $0xb8;
	[tilespmem:$0x1F8C0] =	vst v63  }
0xb3: {  	_ =	swait.ge [sflag:s9], $0x80  }
0xb4: {  	[sflag:s9] =	ssyncset.done $0x0  }
0xb5: {  	s7 =	sadd.s32 $0x100, s7;
	[sflag:s9] =	ssyncadd.s32 $0xFFFFFF80  }
0xb6: {  	[spmem:s1] =	stream.indirect.scatter.add.f32 [tilespmem:s5], [sflag:$0x1], $0x1, s3, s11, $0xb8;
	[tilespmem:$0x1F8C0] =	vst v63  }
0xb7: {  	_ =	swait.ge [sflag:s9], $0x80  }
0xb8: {  	[sflag:s9] =	ssyncset.done $0x0  }
0xb9: {  	[sflag:s9] =	ssyncadd.s32 $0xFFFFFF80  }
0xba: {  	[bflag:$0x0] =	sbarrier.arrive $0xFFFF  }
0xbb: {  	s8 =	simm.s32 $0x1000;
	s4 =	rddreg [dreg:$0xf]  }
0xbc: {  	[tilespmem:s8], [sflag:$0x1] =	stream.linear.gather [spmem:s4], $0xF440, $0x38;
	[tilespmem:$0x1F8C0] =	vst v63  }
0xbd: {  	_ =	swait.ge [sflag:s9], $0xF440  }
0xbe: {  	[sflag:s9] =	ssyncset.done $0x0  }
0xbf: {  	s7 =	rddreg [dreg:$0x12];
	[sflag:s9] =	ssyncadd.s32 $0xFFFF0BC0  }
0xc0: {  	[hbm4b:s7+s2] =	stream.linear.scatter [tilespmem:s8], [sflag:$0x1], $0xF440, $0x38;
	[tilespmem:$0x1F8C0] =	vst v63  }
0xc1: {  	_ =	swait.ge [sflag:s9], $0xF440  }
0xc2: {  	s6 =	sadd.s32 $0x1, s6;
	s7 =	rddreg [dreg:$0x10]  }
0xc3: {  	p0 =	sne.s32 s6, s7  }
.Ltmp1:
0xc4: {  	_ = 	snop;
	(pc) =	sbr.rel @p0 .LBB2_1-.Ltmp1, $3  }
0xc5: {  	_ =	sdelay $0x1  }
0xc6: {  	[sflag:s9] =	ssyncset.done $0x0  }
0xc7: {  	[sflag:s9] =	ssyncadd.s32 $0xFFFF0BC0  }
0xc8: {  	_ =	sfence.sel $0x180000  }
0xc9: {  	[bflag:$0x0] =	sbarrier.arrive $0xFFFF  }
0xca: {  	_ =	strace $0x90000047  }
0xcb: {  	s0 =	stileid.u32;
	[bflag:$0x2] =	sbarrier.arrive $0xFFFF  }
0xcc: {  	p0 =	sne.s32 s0, $0x0;
	s0 =	rddreg [dreg:$0x5]  }
0xcd: {  	s0 =	sadd.s32 @!p0 $0x100000, s0  }
0xce: {  	[sflag:s0] =	ssyncadd.tile.s32 @!p0 $0x1;
	_ =	shalt  }
.Lfunc_end2:
_tile_overlayer_lowered:
.L_overlay_start_2:
0xcf: {  	(tag) =	ssettag $0x2  }
0xd0: {  	s0 =	rddreg [dreg:$0x0];
	s2 =	stileid.u32  }
0xd1: {  	s1 =	rddreg [dreg:$0x1];
	p0 =	sne.s32 s2, $0x0  }
0xd2: {  	s3 =	rddreg [dreg:$0x2];
	[bflag:$0x3] =	sbarrier.arrive $0xFFFF;
	s2 =	simm.s32 @!p0 $0x1C01  }
0xd3: {  	[timem:s3], [sflag:s2] =	dma.local @!p0 [hbm:s0], s1  }
0xd4: {  	s0 =	simm.s32 @!p0 $0x1  }
0xd5: {  	_ =	swait.ge @!p0 [sflag:s0], s1  }
0xd6: {  	s1 =	ssub.s32 @!p0 $0x0, s1;
	[sflag:s0] =	ssyncset.done @!p0 $0x0  }
0xd7: {  	[sflag:s0] =	ssyncadd.s32 @!p0 s1  }
0xd8: {  	[bflag:$0x3] =	sbarrier.arrive $0xFFFF  }
0xd9: {  	_ =	shalt  }

</sc_bundles>
